<compile_context>
chip_gen: v7x
topology: tpu7x:2x2x1
jax: 0.10.2.dev20260603
libtpu: 0.0.44.dev20260713+nightly
codegen_flags: <defaults>
</compile_context>

<pallas_src>
import functools

import jax
import jax.numpy as jnp
from jax import lax
from jax.experimental import pallas as pl
from jax.experimental.pallas import tpu as pltpu
from jax.experimental.pallas import tpu_sc as plsc

N, E, D, DE, H = 10000, 320000, 128, 16, 128

_NC, _NS = 2, 16
_NW = _NC * _NS
_CHUNK = 80
_EPT = (2 * E) // _NW
_ITERS = _EPT // _CHUNK
_NBUF = 2

_EPT_S = E // _NS
_SITERS = _EPT_S // _CHUNK

_NBLK = 2000
_R = 1000
_MBLK = E // _R



def _proj_body(x_ref, w_ref, o_ref):
    o_ref[...] = jnp.dot(x_ref[0], w_ref[0], preferred_element_type=jnp.float32)


def _node_proj(xs, Ws):
    nb = N // _NBLK
    return pl.pallas_call(
        _proj_body,
        grid=(4, nb),
        in_specs=[
            pl.BlockSpec((1, _NBLK, D), lambda j, i: (j // 2, i, 0)),
            pl.BlockSpec((1, D, H), lambda j, i: (j, 0, 0)),
        ],
        out_specs=pl.BlockSpec((_NBLK, H), lambda j, i: (j * (N // _NBLK) + i, 0)),
        out_shape=jax.ShapeDtypeStruct((4 * N, H), jnp.float32),
    )(xs, Ws)



def _sc_gather_body(*refs):
    T_hbm, idxp_hbm, idxq_hbm = refs[0:3]
    gp_hbm, gq_hbm = refs[3:5]
    idxp_v, idxq_v = refs[5:7]
    bufp = refs[7:7 + _NBUF]
    bufq = refs[7 + _NBUF:7 + 2 * _NBUF]
    semp = refs[7 + 2 * _NBUF:7 + 3 * _NBUF]
    semq = refs[7 + 3 * _NBUF:7 + 4 * _NBUF]

    c = lax.axis_index("c")
    s = lax.axis_index("s")
    w = s * _NC + c
    base = w * _EPT

    pltpu.sync_copy(idxp_hbm.at[w], idxp_v)
    pltpu.sync_copy(idxq_hbm.at[w], idxq_v)

    for b in range(_NBUF):
        pltpu.async_copy(T_hbm.at[idxp_v.at[b]], bufp[b], semp[b])
        pltpu.async_copy(T_hbm.at[idxq_v.at[b]], bufq[b], semq[b])

    def step(i, carry):
        for b in range(_NBUF):
            ib = i * _NBUF + b
            off = base + ib * _CHUNK
            pltpu.make_async_copy(T_hbm.at[idxp_v.at[ib]], bufp[b], semp[b]).wait()
            pltpu.sync_copy(bufp[b], gp_hbm.at[pl.ds(off, _CHUNK)])
            pltpu.make_async_copy(T_hbm.at[idxq_v.at[ib]], bufq[b], semq[b]).wait()
            pltpu.sync_copy(bufq[b], gq_hbm.at[pl.ds(off, _CHUNK)])
            nxt = ib + _NBUF

            @pl.when(nxt < _ITERS)
            def _():
                pltpu.async_copy(T_hbm.at[idxp_v.at[nxt]], bufp[b], semp[b])
                pltpu.async_copy(T_hbm.at[idxq_v.at[nxt]], bufq[b], semq[b])

        return carry

    lax.fori_loop(0, _ITERS // _NBUF, step, 0)


def _sc_gather(T, idxP, idxQ):
    mesh = plsc.VectorSubcoreMesh(core_axis_name="c", subcore_axis_name="s")
    scratch = (
        [pltpu.VMEM((_ITERS, _CHUNK), jnp.int32)] * 2
        + [pltpu.VMEM((_CHUNK, H), jnp.float32)] * (2 * _NBUF)
        + [pltpu.SemaphoreType.DMA] * (2 * _NBUF)
    )
    out = jax.ShapeDtypeStruct((2 * E, H), jnp.float32)
    return pl.kernel(
        _sc_gather_body,
        out_type=[out, out],
        mesh=mesh,
        scratch_types=scratch,
    )(T, idxP, idxQ)



def _mlp_body(gp_ref, gq_ref, e_ref, w1e_ref, b1_ref, w2_ref, b2_ref, o_ref):
    g = (gp_ref[...] + gq_ref[...]
         + jnp.dot(e_ref[...], w1e_ref[0], preferred_element_type=jnp.float32)
         + b1_ref[0])
    h1 = jax.nn.silu(g)
    h2 = jax.nn.silu(jnp.dot(h1, w2_ref[0], preferred_element_type=jnp.float32)
                     + b2_ref[0])
    o_ref[...] = jax.nn.silu(h2)


def _edge_mlp(gp, gq, e_all, w1e, b1s, w2s, b2s):
    return pl.pallas_call(
        _mlp_body,
        grid=(2 * E // _R,),
        in_specs=[
            pl.BlockSpec((_R, H), lambda i: (i, 0)),
            pl.BlockSpec((_R, H), lambda i: (i, 0)),
            pl.BlockSpec((_R, DE), lambda i: (i, 0)),
            pl.BlockSpec((1, DE, H), lambda i: (i // _MBLK, 0, 0)),
            pl.BlockSpec((1, 1, H), lambda i: (i // _MBLK, 0, 0)),
            pl.BlockSpec((1, H, H), lambda i: (i // _MBLK, 0, 0)),
            pl.BlockSpec((1, 1, H), lambda i: (i // _MBLK, 0, 0)),
        ],
        out_specs=pl.BlockSpec((_R, H), lambda i: (i, 0)),
        out_shape=jax.ShapeDtypeStruct((2 * E, H), jnp.float32),
    )(gp, gq, e_all, w1e, b1s, w2s, b2s)



def _sc_scatter_body(*refs):
    h_hbm, dst_hbm, zeros_hbm = refs[0:3]
    out_hbm = refs[3]
    idxb = refs[4:4 + _NBUF]
    rows = refs[4 + _NBUF:4 + 2 * _NBUF]
    semi = refs[4 + 2 * _NBUF:4 + 3 * _NBUF]
    semr = refs[4 + 3 * _NBUF:4 + 4 * _NBUF]
    acc = refs[4 + 4 * _NBUF]

    c = lax.axis_index("c")
    s = lax.axis_index("s")
    base = c * E + s * _EPT_S

    @pl.when(s < 15)
    def _():
        pltpu.sync_copy(zeros_hbm.at[pl.ds(s * 632, 632)], acc.at[pl.ds(s * 632, 632)])

    @pl.when(s == 15)
    def _():
        pltpu.sync_copy(zeros_hbm.at[pl.ds(9480, 520)], acc.at[pl.ds(9480, 520)])

    plsc.subcore_barrier()

    for b in range(_NBUF):
        pltpu.async_copy(dst_hbm.at[c, s, b], idxb[b], semi[b])
        pltpu.async_copy(h_hbm.at[pl.ds(base + b * _CHUNK, _CHUNK)], rows[b], semr[b])

    def step(i, carry):
        for b in range(_NBUF):
            ib = i * _NBUF + b
            pltpu.make_async_copy(dst_hbm.at[c, s, ib], idxb[b], semi[b]).wait()
            pltpu.make_async_copy(
                h_hbm.at[pl.ds(base + ib * _CHUNK, _CHUNK)], rows[b], semr[b]).wait()
            pltpu.sync_copy(rows[b], acc.at[idxb[b]], add=True)
            nxt = ib + _NBUF

            @pl.when(nxt < _SITERS)
            def _():
                pltpu.async_copy(dst_hbm.at[c, s, nxt], idxb[b], semi[b])
                pltpu.async_copy(
                    h_hbm.at[pl.ds(base + nxt * _CHUNK, _CHUNK)], rows[b], semr[b])

        return carry

    lax.fori_loop(0, _SITERS // _NBUF, step, 0)

    plsc.subcore_barrier()

    @pl.when(s < 15)
    def _():
        pltpu.sync_copy(acc.at[pl.ds(s * 632, 632)],
                        out_hbm.at[c].at[pl.ds(s * 632, 632)])

    @pl.when(s == 15)
    def _():
        pltpu.sync_copy(acc.at[pl.ds(9480, 520)],
                        out_hbm.at[c].at[pl.ds(9480, 520)])


def _sc_scatter(h, dsts, zeros):
    mesh = plsc.VectorSubcoreMesh(core_axis_name="c", subcore_axis_name="s")
    scratch = (
        [pltpu.VMEM((_CHUNK,), jnp.int32)] * _NBUF
        + [pltpu.VMEM((_CHUNK, H), jnp.float32)] * _NBUF
        + [pltpu.SemaphoreType.DMA] * (2 * _NBUF)
        + [pltpu.VMEM_SHARED((N, H), jnp.float32)]
    )
    return pl.kernel(
        _sc_scatter_body,
        out_type=jax.ShapeDtypeStruct((2, N, H), jnp.float32),
        mesh=mesh,
        scratch_types=scratch,
    )(h, dsts, zeros)



def _upd_body(a_ref, w_ref, b_ref, o_ref):
    y = jnp.dot(a_ref[0], w_ref[0], preferred_element_type=jnp.float32) + b_ref[0]
    o_ref[0] = jnp.where(pl.program_id(0) == 2, jax.nn.silu(y), y)


def _final(A, Wst, bst):
    nb = N // _NBLK
    return pl.pallas_call(
        _upd_body,
        grid=(3, nb),
        in_specs=[
            pl.BlockSpec((1, _NBLK, H), lambda j, i: (j, i, 0)),
            pl.BlockSpec((1, H, H), lambda j, i: (j, 0, 0)),
            pl.BlockSpec((1, 1, H), lambda j, i: (j, 0, 0)),
        ],
        out_specs=pl.BlockSpec((1, _NBLK, H), lambda j, i: (j, i, 0)),
        out_shape=jax.ShapeDtypeStruct((3, N, H), jnp.float32),
    )(A, Wst, bst)



def kernel(x_rna, edge_index_rna, e_rna, x_atac, edge_index_atac, e_atac, x_cell,
           W1_rna, b1_rna, W2_rna, b2_rna, Wu_rna, bu_rna,
           W1_atac, b1_atac, W2_atac, b2_atac, Wu_atac, bu_atac,
           Wc, bc):
    src_r = edge_index_rna[0].astype(jnp.int32)
    dst_r = edge_index_rna[1].astype(jnp.int32)
    src_a = edge_index_atac[0].astype(jnp.int32)
    dst_a = edge_index_atac[1].astype(jnp.int32)

    xs = jnp.stack([x_rna, x_atac])
    Ws = jnp.stack([W1_rna[:D], W1_rna[D:2 * D], W1_atac[:D], W1_atac[D:2 * D]])
    T = _node_proj(xs, Ws)

    idxP = jnp.concatenate([dst_r, dst_a + 2 * N]).reshape(_NW, _ITERS, _CHUNK)
    idxQ = jnp.concatenate([src_r + N, src_a + 3 * N]).reshape(_NW, _ITERS, _CHUNK)
    gp, gq = _sc_gather(T, idxP, idxQ)

    e_all = jnp.concatenate([e_rna, e_atac])
    w1e = jnp.stack([W1_rna[2 * D:], W1_atac[2 * D:]])
    b1s = jnp.stack([b1_rna, b1_atac])[:, None, :]
    w2s = jnp.stack([W2_rna, W2_atac])
    b2s = jnp.stack([b2_rna, b2_atac])[:, None, :]
    h = _edge_mlp(gp, gq, e_all, w1e, b1s, w2s, b2s)

    dsts = jnp.concatenate([dst_r, dst_a]).reshape(2, _NS, _SITERS, _CHUNK)
    zeros = jnp.zeros((N, H), jnp.float32)
    aggr = _sc_scatter(h, dsts, zeros)

    A = jnp.concatenate([aggr, x_cell[None]], axis=0)
    Wst = jnp.stack([Wu_rna, Wu_atac, Wc])
    bst = jnp.stack([bu_rna, bu_atac, bc])[:, None, :]
    out = _final(A, Wst, bst)
    return out[0], out[1], out[2]

# --- scband reference (transcript-rebuilt; emitter-appended) ---
"""Pipeline reference for scband-multi-omics-embedding-17171279250040 (READ-ONLY COPY).

The authoritative reference and input builder live on the scoring server;
editing this copy changes nothing except your own understanding.
"""

import jax, jax.numpy as jnp
import numpy as np

N = 10000
E = 320000
D = 128
DE = 16
H = 128


def setup_inputs(seed: int = 0) -> dict:
    key = jax.random.key(seed)
    ks = jax.random.split(key, 24)
    inp = {}
    inp['x_rna'] = jax.random.normal(ks[0], (N, D), dtype=jnp.float32)
    inp['edge_index_rna'] = jax.random.randint(ks[1], (2, E), 0, N, dtype=jnp.int64)
    inp['e_rna'] = jax.random.normal(ks[2], (E, DE), dtype=jnp.float32)
    inp['x_atac'] = jax.random.normal(ks[3], (N, D), dtype=jnp.float32)
    inp['edge_index_atac'] = jax.random.randint(ks[4], (2, E), 0, N, dtype=jnp.int64)
    inp['e_atac'] = jax.random.normal(ks[5], (E, DE), dtype=jnp.float32)
    inp['x_cell'] = jax.random.normal(ks[6], (N, D), dtype=jnp.float32)
    # parameters: per-modality message MLP (2*D+DE -> H -> H), update linear (H -> H)
    fin1 = 2 * D + DE
    inp['W1_rna'] = jax.random.normal(ks[7], (fin1, H), dtype=jnp.float32) / np.sqrt(fin1)
    inp['b1_rna'] = jnp.zeros((H,), dtype=jnp.float32)
    inp['W2_rna'] = jax.random.normal(ks[8], (H, H), dtype=jnp.float32) / np.sqrt(H)
    inp['b2_rna'] = jnp.zeros((H,), dtype=jnp.float32)
    inp['Wu_rna'] = jax.random.normal(ks[9], (H, H), dtype=jnp.float32) / np.sqrt(H)
    inp['bu_rna'] = jnp.zeros((H,), dtype=jnp.float32)
    inp['W1_atac'] = jax.random.normal(ks[10], (fin1, H), dtype=jnp.float32) / np.sqrt(fin1)
    inp['b1_atac'] = jnp.zeros((H,), dtype=jnp.float32)
    inp['W2_atac'] = jax.random.normal(ks[11], (H, H), dtype=jnp.float32) / np.sqrt(H)
    inp['b2_atac'] = jnp.zeros((H,), dtype=jnp.float32)
    inp['Wu_atac'] = jax.random.normal(ks[12], (H, H), dtype=jnp.float32) / np.sqrt(H)
    inp['bu_atac'] = jnp.zeros((H,), dtype=jnp.float32)
    inp['Wc'] = jax.random.normal(ks[13], (D, H), dtype=jnp.float32) / np.sqrt(D)
    inp['bc'] = jnp.zeros((H,), dtype=jnp.float32)
    return inp


def _intra_modality_mp(x, edge_index, e, W1, b1, W2, b2, Wu, bu):
    # PyG MessagePassing with aggr='add', flow source_to_target:
    # x_j = x[src] (row 0), x_i = x[dst] (row 1); aggregate at dst.
    src = edge_index[0]
    dst = edge_index[1]
    x_i = jnp.take(x, dst, axis=0)
    x_j = jnp.take(x, src, axis=0)
    m_ij = jnp.concatenate([x_i, x_j, e], axis=-1)
    h = jax.nn.silu(m_ij @ W1 + b1)  # fc_message layer 1 + SiLU (dropout = identity in eval)
    h = jax.nn.silu(h @ W2 + b2)     # fc_message layer 2 + SiLU
    h = jax.nn.silu(h)               # self.activation applied in message()
    aggr = jax.ops.segment_sum(h, dst, num_segments=x.shape[0])
    return aggr @ Wu + bu            # fc_update


def reference(x_rna, edge_index_rna, e_rna, x_atac, edge_index_atac, e_atac, x_cell,
              W1_rna, b1_rna, W2_rna, b2_rna, Wu_rna, bu_rna,
              W1_atac, b1_atac, W2_atac, b2_atac, Wu_atac, bu_atac,
              Wc, bc):
    h_rna = _intra_modality_mp(x_rna, edge_index_rna, e_rna, W1_rna, b1_rna, W2_rna, b2_rna, Wu_rna, bu_rna)
    h_atac = _intra_modality_mp(x_atac, edge_index_atac, e_atac, W1_atac, b1_atac, W2_atac, b2_atac, Wu_atac, bu_atac)
    c = jax.nn.silu(x_cell @ Wc + bc)
    return (h_rna, h_atac, c)

if __name__ == "__main__":
    import jax
    _d = setup_inputs()
    print(jax.jit(kernel)(*tuple(_d.values())))

</pallas_src>

<mosaic_0001>
#map = affine_map<(d0, d1) -> (0, 0)>
#map1 = affine_map<(d0, d1) -> (0, 0, 0, 0)>
#map2 = affine_map<(d0, d1) -> (0, 0, 0)>
module attributes {stable_mosaic.version = 14 : i64} {
  func.func @_sc_scatter_body(%arg0: i32, %arg1: i32, %arg2: memref<640000x128xf32, #tpu.memory_space<hbm>>, %arg3: memref<2x16x250x80xi32, #tpu.memory_space<hbm>>, %arg4: memref<10000x128xf32, #tpu.memory_space<hbm>>, %arg5: memref<2x10000x128xf32, #tpu.memory_space<hbm>>, %arg6: memref<80xi32, #tpu.memory_space<vmem>>, %arg7: memref<80xi32, #tpu.memory_space<vmem>>, %arg8: memref<80x128xf32, #tpu.memory_space<vmem>>, %arg9: memref<80x128xf32, #tpu.memory_space<vmem>>, %arg10: memref<!tpu.dma_semaphore, #tpu.memory_space<semaphore_mem>>, %arg11: memref<!tpu.dma_semaphore, #tpu.memory_space<semaphore_mem>>, %arg12: memref<!tpu.dma_semaphore, #tpu.memory_space<semaphore_mem>>, %arg13: memref<!tpu.dma_semaphore, #tpu.memory_space<semaphore_mem>>, %arg14: memref<10000x128xf32, #tpu.memory_space<vmem_shared>>) attributes {dimension_semantics = [#tpu.dimension_semantics<core_parallel>, #tpu.dimension_semantics<subcore_parallel>], iteration_bounds = array<i64: 2, 16>, scalar_prefetch = 0 : i64, scratch_operands = 9 : i64, tpu.core_type = #tpu.core_type<sc_vector_subcore>, window_params = [{transform_indices = #map}, {transform_indices = #map1}, {transform_indices = #map}, {transform_indices = #map2}]} {
    %mul3A = arith.constant 320000 : i32
    %mul3A_0 = arith.muli %arg0, %mul3A : i32
    %mul3A_1 = arith.constant 20000 : i32
    %mul3A_2 = arith.muli %arg1, %mul3A_1 : i32
    %add3A = arith.addi %mul3A_0, %mul3A_2 : i32
    %lt3A = arith.constant 15 : i32
    %lt3A_3 = arith.cmpi slt, %arg1, %lt3A : i32
    %convert_element_type3A = arith.extui %lt3A_3 : i1 to i32
    %cond3A = arith.constant 0 : i32
    %cond3A_4 = arith.cmpi ne, %convert_element_type3A, %cond3A : i32
    scf.if %cond3A_4 {
      %mul3A_50 = arith.constant 632 : i32
      %mul3A_51 = arith.muli %arg1, %mul3A_50 : i32
      %mul3A_52 = arith.constant 632 : i32
      %mul3A_53 = arith.muli %arg1, %mul3A_52 : i32
      "tpu.region"() ({
        %run_scoped3A = tpu.sem_alloc : memref<!tpu.dma_semaphore, #tpu.memory_space<semaphore_mem>>
        %dma_start3A_54 = arith.constant 0 : i32
        %dma_start3A_55 = tpu.memref_slice %arg14[%mul3A_53, %dma_start3A_54] : memref<10000x128xf32, #tpu.memory_space<vmem_shared>> -> memref<632x128xf32, #tpu.memory_space<vmem_shared>>
        %dma_start3A_56 = arith.constant 0 : i32
        %dma_start3A_57 = tpu.memref_slice %arg4[%mul3A_51, %dma_start3A_56] : memref<10000x128xf32, #tpu.memory_space<hbm>> -> memref<632x128xf32, #tpu.memory_space<hbm>>
        tpu.enqueue_dma source(%dma_start3A_57 : memref<632x128xf32, #tpu.memory_space<hbm>>) target(%dma_start3A_55 : memref<632x128xf32, #tpu.memory_space<vmem_shared>>) target_semaphore(%run_scoped3A : memref<!tpu.dma_semaphore, #tpu.memory_space<semaphore_mem>>)
        %dma_wait3A = arith.constant 0 : i32
        %dma_wait3A_58 = tpu.memref_slice %arg14[%mul3A_53, %dma_wait3A] : memref<10000x128xf32, #tpu.memory_space<vmem_shared>> -> memref<632x128xf32, #tpu.memory_space<vmem_shared>>
        %dma_wait3A_59 = arith.constant 0 : i32
        %dma_wait3A_60 = tpu.memref_slice %arg4[%mul3A_51, %dma_wait3A_59] : memref<10000x128xf32, #tpu.memory_space<hbm>> -> memref<632x128xf32, #tpu.memory_space<hbm>>
        tpu.wait_dma2 semaphore(%run_scoped3A : memref<!tpu.dma_semaphore, #tpu.memory_space<semaphore_mem>>) src(%dma_wait3A_60 : memref<632x128xf32, #tpu.memory_space<hbm>>) dst(%dma_wait3A_58 : memref<632x128xf32, #tpu.memory_space<vmem_shared>>)
        tpu.yield
      }) : () -> ()
    } else {
    }
    %eq3A = arith.constant 15 : i32
    %eq3A_5 = arith.cmpi eq, %arg1, %eq3A : i32
    %convert_element_type3A_6 = arith.extui %eq3A_5 : i1 to i32
    %cond3A_7 = arith.constant 0 : i32
    %cond3A_8 = arith.cmpi ne, %convert_element_type3A_6, %cond3A_7 : i32
    scf.if %cond3A_8 {
      "tpu.region"() ({
        %run_scoped3A = tpu.sem_alloc : memref<!tpu.dma_semaphore, #tpu.memory_space<semaphore_mem>>
        %dma_start3A_50 = arith.constant 9480 : i32
        %dma_start3A_51 = arith.constant 0 : i32
        %dma_start3A_52 = tpu.memref_slice %arg14[%dma_start3A_50, %dma_start3A_51] : memref<10000x128xf32, #tpu.memory_space<vmem_shared>> -> memref<520x128xf32, #tpu.memory_space<vmem_shared>>
        %dma_start3A_53 = arith.constant 9480 : i32
        %dma_start3A_54 = arith.constant 0 : i32
        %dma_start3A_55 = tpu.memref_slice %arg4[%dma_start3A_53, %dma_start3A_54] : memref<10000x128xf32, #tpu.memory_space<hbm>> -> memref<520x128xf32, #tpu.memory_space<hbm>>
        tpu.enqueue_dma source(%dma_start3A_55 : memref<520x128xf32, #tpu.memory_space<hbm>>) target(%dma_start3A_52 : memref<520x128xf32, #tpu.memory_space<vmem_shared>>) target_semaphore(%run_scoped3A : memref<!tpu.dma_semaphore, #tpu.memory_space<semaphore_mem>>)
        %dma_wait3A = arith.constant 9480 : i32
        %dma_wait3A_56 = arith.constant 0 : i32
        %dma_wait3A_57 = tpu.memref_slice %arg14[%dma_wait3A, %dma_wait3A_56] : memref<10000x128xf32, #tpu.memory_space<vmem_shared>> -> memref<520x128xf32, #tpu.memory_space<vmem_shared>>
        %dma_wait3A_58 = arith.constant 9480 : i32
        %dma_wait3A_59 = arith.constant 0 : i32
        %dma_wait3A_60 = tpu.memref_slice %arg4[%dma_wait3A_58, %dma_wait3A_59] : memref<10000x128xf32, #tpu.memory_space<hbm>> -> memref<520x128xf32, #tpu.memory_space<hbm>>
        tpu.wait_dma2 semaphore(%run_scoped3A : memref<!tpu.dma_semaphore, #tpu.memory_space<semaphore_mem>>) src(%dma_wait3A_60 : memref<520x128xf32, #tpu.memory_space<hbm>>) dst(%dma_wait3A_57 : memref<520x128xf32, #tpu.memory_space<vmem_shared>>)
        tpu.yield
      }) : () -> ()
    } else {
    }
    %barrier3A = arith.constant 0 : index
    tpu.barrier barrier_id(%barrier3A)
    %dma_start3A = arith.constant 0 : i32
    %dma_start3A_9 = arith.constant 0 : i32
    %dma_start3A_10 = tpu.memref_slice %arg3[%arg0, %arg1, %dma_start3A, %dma_start3A_9] : memref<2x16x250x80xi32, #tpu.memory_space<hbm>> -> memref<1x1x1x80xi32, #tpu.memory_space<hbm>>
    %dma_start3A_11 = tpu.memref_squeeze %dma_start3A_10 : memref<1x1x1x80xi32, #tpu.memory_space<hbm>> -> memref<80xi32, #tpu.memory_space<hbm>>
    %dma_start3A_12 = arith.constant 0 : i32
    %dma_start3A_13 = tpu.memref_slice %arg3[%arg0, %arg1, %dma_start3A, %dma_start3A_12] : memref<2x16x250x80xi32, #tpu.memory_space<hbm>> -> memref<1x1x1x80xi32, #tpu.memory_space<hbm>>
    %dma_start3A_14 = tpu.memref_squeeze %dma_start3A_13 : memref<1x1x1x80xi32, #tpu.memory_space<hbm>> -> memref<80xi32, #tpu.memory_space<hbm>>
    tpu.enqueue_dma source(%dma_start3A_14 : memref<80xi32, #tpu.memory_space<hbm>>) target(%arg6 : memref<80xi32, #tpu.memory_space<vmem>>) target_semaphore(%arg10 : memref<!tpu.dma_semaphore, #tpu.memory_space<semaphore_mem>>)
    %add3A_15 = arith.constant 0 : i32
    %add3A_16 = arith.addi %add3A, %add3A_15 : i32
    %dma_start3A_17 = arith.constant 0 : i32
    %dma_start3A_18 = tpu.memref_slice %arg2[%add3A_16, %dma_start3A_17] : memref<640000x128xf32, #tpu.memory_space<hbm>> -> memref<80x128xf32, #tpu.memory_space<hbm>>
    %dma_start3A_19 = arith.constant 0 : i32
    %dma_start3A_20 = tpu.memref_slice %arg2[%add3A_16, %dma_start3A_19] : memref<640000x128xf32, #tpu.memory_space<hbm>> -> memref<80x128xf32, #tpu.memory_space<hbm>>
    tpu.enqueue_dma source(%dma_start3A_20 : memref<80x128xf32, #tpu.memory_space<hbm>>) target(%arg8 : memref<80x128xf32, #tpu.memory_space<vmem>>) target_semaphore(%arg12 : memref<!tpu.dma_semaphore, #tpu.memory_space<semaphore_mem>>)
    %dma_start3A_21 = arith.constant 1 : i32
    %dma_start3A_22 = arith.constant 0 : i32
    %dma_start3A_23 = tpu.memref_slice %arg3[%arg0, %arg1, %dma_start3A_21, %dma_start3A_22] : memref<2x16x250x80xi32, #tpu.memory_space<hbm>> -> memref<1x1x1x80xi32, #tpu.memory_space<hbm>>
    %dma_start3A_24 = tpu.memref_squeeze %dma_start3A_23 : memref<1x1x1x80xi32, #tpu.memory_space<hbm>> -> memref<80xi32, #tpu.memory_space<hbm>>
    %dma_start3A_25 = arith.constant 0 : i32
    %dma_start3A_26 = tpu.memref_slice %arg3[%arg0, %arg1, %dma_start3A_21, %dma_start3A_25] : memref<2x16x250x80xi32, #tpu.memory_space<hbm>> -> memref<1x1x1x80xi32, #tpu.memory_space<hbm>>
    %dma_start3A_27 = tpu.memref_squeeze %dma_start3A_26 : memref<1x1x1x80xi32, #tpu.memory_space<hbm>> -> memref<80xi32, #tpu.memory_space<hbm>>
    tpu.enqueue_dma source(%dma_start3A_27 : memref<80xi32, #tpu.memory_space<hbm>>) target(%arg7 : memref<80xi32, #tpu.memory_space<vmem>>) target_semaphore(%arg11 : memref<!tpu.dma_semaphore, #tpu.memory_space<semaphore_mem>>)
    %add3A_28 = arith.constant 80 : i32
    %add3A_29 = arith.addi %add3A, %add3A_28 : i32
    %dma_start3A_30 = arith.constant 0 : i32
    %dma_start3A_31 = tpu.memref_slice %arg2[%add3A_29, %dma_start3A_30] : memref<640000x128xf32, #tpu.memory_space<hbm>> -> memref<80x128xf32, #tpu.memory_space<hbm>>
    %dma_start3A_32 = arith.constant 0 : i32
    %dma_start3A_33 = tpu.memref_slice %arg2[%add3A_29, %dma_start3A_32] : memref<640000x128xf32, #tpu.memory_space<hbm>> -> memref<80x128xf32, #tpu.memory_space<hbm>>
    tpu.enqueue_dma source(%dma_start3A_33 : memref<80x128xf32, #tpu.memory_space<hbm>>) target(%arg9 : memref<80x128xf32, #tpu.memory_space<vmem>>) target_semaphore(%arg13 : memref<!tpu.dma_semaphore, #tpu.memory_space<semaphore_mem>>)
    %scan3A = arith.constant 0 : i32
    %scan3A_34 = arith.constant 0 : i32
    %scan3A_35 = arith.constant 125 : i32
    %scan3A_36 = arith.addi %scan3A_34, %scan3A_35 : i32
    %scan3A_37 = arith.constant 1 : i32
    scf.for %scan3A_50 = %scan3A_34 to %scan3A_36 step %scan3A_37  : i32 {
      %mul3A_51 = arith.constant 2 : i32
      %mul3A_52 = arith.muli %scan3A_50, %mul3A_51 : i32
      %add3A_53 = arith.constant 0 : i32
      %add3A_54 = arith.addi %mul3A_52, %add3A_53 : i32
      %dma_wait3A = arith.constant 0 : i32
      %dma_wait3A_55 = tpu.memref_slice %arg3[%arg0, %arg1, %add3A_54, %dma_wait3A] : memref<2x16x250x80xi32, #tpu.memory_space<hbm>> -> memref<1x1x1x80xi32, #tpu.memory_space<hbm>>
      %dma_wait3A_56 = tpu.memref_squeeze %dma_wait3A_55 : memref<1x1x1x80xi32, #tpu.memory_space<hbm>> -> memref<80xi32, #tpu.memory_space<hbm>>
      %dma_wait3A_57 = arith.constant 0 : i32
      %dma_wait3A_58 = tpu.memref_slice %arg3[%arg0, %arg1, %add3A_54, %dma_wait3A_57] : memref<2x16x250x80xi32, #tpu.memory_space<hbm>> -> memref<1x1x1x80xi32, #tpu.memory_space<hbm>>
      %dma_wait3A_59 = tpu.memref_squeeze %dma_wait3A_58 : memref<1x1x1x80xi32, #tpu.memory_space<hbm>> -> memref<80xi32, #tpu.memory_space<hbm>>
      tpu.wait_dma2 semaphore(%arg10 : memref<!tpu.dma_semaphore, #tpu.memory_space<semaphore_mem>>) src(%dma_wait3A_59 : memref<80xi32, #tpu.memory_space<hbm>>) dst(%arg6 : memref<80xi32, #tpu.memory_space<vmem>>)
      %mul3A_60 = arith.constant 80 : i32
      %mul3A_61 = arith.muli %add3A_54, %mul3A_60 : i32
      %add3A_62 = arith.addi %add3A, %mul3A_61 : i32
      %dma_wait3A_63 = arith.constant 0 : i32
      %dma_wait3A_64 = tpu.memref_slice %arg2[%add3A_62, %dma_wait3A_63] : memref<640000x128xf32, #tpu.memory_space<hbm>> -> memref<80x128xf32, #tpu.memory_space<hbm>>
      %dma_wait3A_65 = arith.constant 0 : i32
      %dma_wait3A_66 = tpu.memref_slice %arg2[%add3A_62, %dma_wait3A_65] : memref<640000x128xf32, #tpu.memory_space<hbm>> -> memref<80x128xf32, #tpu.memory_space<hbm>>
      tpu.wait_dma2 semaphore(%arg12 : memref<!tpu.dma_semaphore, #tpu.memory_space<semaphore_mem>>) src(%dma_wait3A_66 : memref<80x128xf32, #tpu.memory_space<hbm>>) dst(%arg8 : memref<80x128xf32, #tpu.memory_space<vmem>>)
      "tpu.region"() ({
        %run_scoped3A = tpu.sem_alloc : memref<!tpu.dma_semaphore, #tpu.memory_space<semaphore_mem>>
        %dma_start3A_98 = arith.constant 0 : i32
        %dma_start3A_99 = arith.constant 0 : i32
        %dma_start3A_100 = tpu.memref_slice %arg14[%dma_start3A_98, %dma_start3A_99] : memref<10000x128xf32, #tpu.memory_space<vmem_shared>> -> memref<10000x128xf32, #tpu.memory_space<vmem_shared>>
        tpu.enqueue_indirect_dma source(%arg8 : memref<80x128xf32, #tpu.memory_space<vmem>>) target(%dma_start3A_100 : memref<10000x128xf32, #tpu.memory_space<vmem_shared>>) offsets(%arg6 : memref<80xi32, #tpu.memory_space<vmem>>) semaphore(%run_scoped3A : memref<!tpu.dma_semaphore, #tpu.memory_space<semaphore_mem>>) {add = true}
        %dma_wait3A_101 = arith.constant 0 : i32
        %dma_wait3A_102 = arith.constant 0 : i32
        %dma_wait3A_103 = tpu.memref_slice %arg14[%dma_wait3A_101, %dma_wait3A_102] : memref<10000x128xf32, #tpu.memory_space<vmem_shared>> -> memref<10000x128xf32, #tpu.memory_space<vmem_shared>>
        tpu.wait_indirect_dma semaphore(%run_scoped3A : memref<!tpu.dma_semaphore, #tpu.memory_space<semaphore_mem>>) src(%arg8 : memref<80x128xf32, #tpu.memory_space<vmem>>) dst(%dma_wait3A_103 : memref<10000x128xf32, #tpu.memory_space<vmem_shared>>)
        tpu.yield
      }) : () -> ()
      %add3A_67 = arith.constant 2 : i32
      %add3A_68 = arith.addi %add3A_54, %add3A_67 : i32
      %lt3A_69 = arith.constant 250 : i32
      %lt3A_70 = arith.cmpi slt, %add3A_68, %lt3A_69 : i32
      %convert_element_type3A_71 = arith.extui %lt3A_70 : i1 to i32
      %cond3A_72 = arith.constant 0 : i32
      %cond3A_73 = arith.cmpi ne, %convert_element_type3A_71, %cond3A_72 : i32
      scf.if %cond3A_73 {
        %dma_start3A_98 = arith.constant 0 : i32
        %dma_start3A_99 = tpu.memref_slice %arg3[%arg0, %arg1, %add3A_68, %dma_start3A_98] : memref<2x16x250x80xi32, #tpu.memory_space<hbm>> -> memref<1x1x1x80xi32, #tpu.memory_space<hbm>>
        %dma_start3A_100 = tpu.memref_squeeze %dma_start3A_99 : memref<1x1x1x80xi32, #tpu.memory_space<hbm>> -> memref<80xi32, #tpu.memory_space<hbm>>
        %dma_start3A_101 = arith.constant 0 : i32
        %dma_start3A_102 = tpu.memref_slice %arg3[%arg0, %arg1, %add3A_68, %dma_start3A_101] : memref<2x16x250x80xi32, #tpu.memory_space<hbm>> -> memref<1x1x1x80xi32, #tpu.memory_space<hbm>>
        %dma_start3A_103 = tpu.memref_squeeze %dma_start3A_102 : memref<1x1x1x80xi32, #tpu.memory_space<hbm>> -> memref<80xi32, #tpu.memory_space<hbm>>
        tpu.enqueue_dma source(%dma_start3A_103 : memref<80xi32, #tpu.memory_space<hbm>>) target(%arg6 : memref<80xi32, #tpu.memory_space<vmem>>) target_semaphore(%arg10 : memref<!tpu.dma_semaphore, #tpu.memory_space<semaphore_mem>>)
        %mul3A_104 = arith.constant 80 : i32
        %mul3A_105 = arith.muli %add3A_68, %mul3A_104 : i32
        %add3A_106 = arith.addi %add3A, %mul3A_105 : i32
        %dma_start3A_107 = arith.constant 0 : i32
        %dma_start3A_108 = tpu.memref_slice %arg2[%add3A_106, %dma_start3A_107] : memref<640000x128xf32, #tpu.memory_space<hbm>> -> memref<80x128xf32, #tpu.memory_space<hbm>>
        %dma_start3A_109 = arith.constant 0 : i32
        %dma_start3A_110 = tpu.memref_slice %arg2[%add3A_106, %dma_start3A_109] : memref<640000x128xf32, #tpu.memory_space<hbm>> -> memref<80x128xf32, #tpu.memory_space<hbm>>
        tpu.enqueue_dma source(%dma_start3A_110 : memref<80x128xf32, #tpu.memory_space<hbm>>) target(%arg8 : memref<80x128xf32, #tpu.memory_space<vmem>>) target_semaphore(%arg12 : memref<!tpu.dma_semaphore, #tpu.memory_space<semaphore_mem>>)
      } else {
      }
      %mul3A_74 = arith.constant 2 : i32
      %mul3A_75 = arith.muli %scan3A_50, %mul3A_74 : i32
      %add3A_76 = arith.constant 1 : i32
      %add3A_77 = arith.addi %mul3A_75, %add3A_76 : i32
      %dma_wait3A_78 = arith.constant 0 : i32
      %dma_wait3A_79 = tpu.memref_slice %arg3[%arg0, %arg1, %add3A_77, %dma_wait3A_78] : memref<2x16x250x80xi32, #tpu.memory_space<hbm>> -> memref<1x1x1x80xi32, #tpu.memory_space<hbm>>
      %dma_wait3A_80 = tpu.memref_squeeze %dma_wait3A_79 : memref<1x1x1x80xi32, #tpu.memory_space<hbm>> -> memref<80xi32, #tpu.memory_space<hbm>>
      %dma_wait3A_81 = arith.constant 0 : i32
      %dma_wait3A_82 = tpu.memref_slice %arg3[%arg0, %arg1, %add3A_77, %dma_wait3A_81] : memref<2x16x250x80xi32, #tpu.memory_space<hbm>> -> memref<1x1x1x80xi32, #tpu.memory_space<hbm>>
      %dma_wait3A_83 = tpu.memref_squeeze %dma_wait3A_82 : memref<1x1x1x80xi32, #tpu.memory_space<hbm>> -> memref<80xi32, #tpu.memory_space<hbm>>
      tpu.wait_dma2 semaphore(%arg11 : memref<!tpu.dma_semaphore, #tpu.memory_space<semaphore_mem>>) src(%dma_wait3A_83 : memref<80xi32, #tpu.memory_space<hbm>>) dst(%arg7 : memref<80xi32, #tpu.memory_space<vmem>>)
      %mul3A_84 = arith.constant 80 : i32
      %mul3A_85 = arith.muli %add3A_77, %mul3A_84 : i32
      %add3A_86 = arith.addi %add3A, %mul3A_85 : i32
      %dma_wait3A_87 = arith.constant 0 : i32
      %dma_wait3A_88 = tpu.memref_slice %arg2[%add3A_86, %dma_wait3A_87] : memref<640000x128xf32, #tpu.memory_space<hbm>> -> memref<80x128xf32, #tpu.memory_space<hbm>>
      %dma_wait3A_89 = arith.constant 0 : i32
      %dma_wait3A_90 = tpu.memref_slice %arg2[%add3A_86, %dma_wait3A_89] : memref<640000x128xf32, #tpu.memory_space<hbm>> -> memref<80x128xf32, #tpu.memory_space<hbm>>
      tpu.wait_dma2 semaphore(%arg13 : memref<!tpu.dma_semaphore, #tpu.memory_space<semaphore_mem>>) src(%dma_wait3A_90 : memref<80x128xf32, #tpu.memory_space<hbm>>) dst(%arg9 : memref<80x128xf32, #tpu.memory_space<vmem>>)
      "tpu.region"() ({
        %run_scoped3A = tpu.sem_alloc : memref<!tpu.dma_semaphore, #tpu.memory_space<semaphore_mem>>
        %dma_start3A_98 = arith.constant 0 : i32
        %dma_start3A_99 = arith.constant 0 : i32
        %dma_start3A_100 = tpu.memref_slice %arg14[%dma_start3A_98, %dma_start3A_99] : memref<10000x128xf32, #tpu.memory_space<vmem_shared>> -> memref<10000x128xf32, #tpu.memory_space<vmem_shared>>
        tpu.enqueue_indirect_dma source(%arg9 : memref<80x128xf32, #tpu.memory_space<vmem>>) target(%dma_start3A_100 : memref<10000x128xf32, #tpu.memory_space<vmem_shared>>) offsets(%arg7 : memref<80xi32, #tpu.memory_space<vmem>>) semaphore(%run_scoped3A : memref<!tpu.dma_semaphore, #tpu.memory_space<semaphore_mem>>) {add = true}
        %dma_wait3A_101 = arith.constant 0 : i32
        %dma_wait3A_102 = arith.constant 0 : i32
        %dma_wait3A_103 = tpu.memref_slice %arg14[%dma_wait3A_101, %dma_wait3A_102] : memref<10000x128xf32, #tpu.memory_space<vmem_shared>> -> memref<10000x128xf32, #tpu.memory_space<vmem_shared>>
        tpu.wait_indirect_dma semaphore(%run_scoped3A : memref<!tpu.dma_semaphore, #tpu.memory_space<semaphore_mem>>) src(%arg9 : memref<80x128xf32, #tpu.memory_space<vmem>>) dst(%dma_wait3A_103 : memref<10000x128xf32, #tpu.memory_space<vmem_shared>>)
        tpu.yield
      }) : () -> ()
      %add3A_91 = arith.constant 2 : i32
      %add3A_92 = arith.addi %add3A_77, %add3A_91 : i32
      %lt3A_93 = arith.constant 250 : i32
      %lt3A_94 = arith.cmpi slt, %add3A_92, %lt3A_93 : i32
      %convert_element_type3A_95 = arith.extui %lt3A_94 : i1 to i32
      %cond3A_96 = arith.constant 0 : i32
      %cond3A_97 = arith.cmpi ne, %convert_element_type3A_95, %cond3A_96 : i32
      scf.if %cond3A_97 {
        %dma_start3A_98 = arith.constant 0 : i32
        %dma_start3A_99 = tpu.memref_slice %arg3[%arg0, %arg1, %add3A_92, %dma_start3A_98] : memref<2x16x250x80xi32, #tpu.memory_space<hbm>> -> memref<1x1x1x80xi32, #tpu.memory_space<hbm>>
        %dma_start3A_100 = tpu.memref_squeeze %dma_start3A_99 : memref<1x1x1x80xi32, #tpu.memory_space<hbm>> -> memref<80xi32, #tpu.memory_space<hbm>>
        %dma_start3A_101 = arith.constant 0 : i32
        %dma_start3A_102 = tpu.memref_slice %arg3[%arg0, %arg1, %add3A_92, %dma_start3A_101] : memref<2x16x250x80xi32, #tpu.memory_space<hbm>> -> memref<1x1x1x80xi32, #tpu.memory_space<hbm>>
        %dma_start3A_103 = tpu.memref_squeeze %dma_start3A_102 : memref<1x1x1x80xi32, #tpu.memory_space<hbm>> -> memref<80xi32, #tpu.memory_space<hbm>>
        tpu.enqueue_dma source(%dma_start3A_103 : memref<80xi32, #tpu.memory_space<hbm>>) target(%arg7 : memref<80xi32, #tpu.memory_space<vmem>>) target_semaphore(%arg11 : memref<!tpu.dma_semaphore, #tpu.memory_space<semaphore_mem>>)
        %mul3A_104 = arith.constant 80 : i32
        %mul3A_105 = arith.muli %add3A_92, %mul3A_104 : i32
        %add3A_106 = arith.addi %add3A, %mul3A_105 : i32
        %dma_start3A_107 = arith.constant 0 : i32
        %dma_start3A_108 = tpu.memref_slice %arg2[%add3A_106, %dma_start3A_107] : memref<640000x128xf32, #tpu.memory_space<hbm>> -> memref<80x128xf32, #tpu.memory_space<hbm>>
        %dma_start3A_109 = arith.constant 0 : i32
        %dma_start3A_110 = tpu.memref_slice %arg2[%add3A_106, %dma_start3A_109] : memref<640000x128xf32, #tpu.memory_space<hbm>> -> memref<80x128xf32, #tpu.memory_space<hbm>>
        tpu.enqueue_dma source(%dma_start3A_110 : memref<80x128xf32, #tpu.memory_space<hbm>>) target(%arg9 : memref<80x128xf32, #tpu.memory_space<vmem>>) target_semaphore(%arg13 : memref<!tpu.dma_semaphore, #tpu.memory_space<semaphore_mem>>)
      } else {
      }
    }
    %scan3A_38 = arith.constant 125 : i32
    %barrier3A_39 = arith.constant 0 : index
    tpu.barrier barrier_id(%barrier3A_39)
    %lt3A_40 = arith.constant 15 : i32
    %lt3A_41 = arith.cmpi slt, %arg1, %lt3A_40 : i32
    %convert_element_type3A_42 = arith.extui %lt3A_41 : i1 to i32
    %cond3A_43 = arith.constant 0 : i32
    %cond3A_44 = arith.cmpi ne, %convert_element_type3A_42, %cond3A_43 : i32
    scf.if %cond3A_44 {
      %mul3A_50 = arith.constant 632 : i32
      %mul3A_51 = arith.muli %arg1, %mul3A_50 : i32
      %mul3A_52 = arith.constant 632 : i32
      %mul3A_53 = arith.muli %arg1, %mul3A_52 : i32
      "tpu.region"() ({
        %run_scoped3A = tpu.sem_alloc : memref<!tpu.dma_semaphore, #tpu.memory_space<semaphore_mem>>
        %dma_start3A_54 = arith.constant 0 : i32
        %dma_start3A_55 = arith.constant 0 : i32
        %dma_start3A_56 = tpu.memref_slice %arg5[%arg0, %dma_start3A_54, %dma_start3A_55] : memref<2x10000x128xf32, #tpu.memory_space<hbm>> -> memref<1x10000x128xf32, #tpu.memory_space<hbm>>
        %dma_start3A_57 = tpu.memref_squeeze %dma_start3A_56 : memref<1x10000x128xf32, #tpu.memory_space<hbm>> -> memref<10000x128xf32, #tpu.memory_space<hbm>>
        %dma_start3A_58 = arith.constant 0 : i32
        %dma_start3A_59 = tpu.memref_slice %dma_start3A_57[%mul3A_53, %dma_start3A_58] : memref<10000x128xf32, #tpu.memory_space<hbm>> -> memref<632x128xf32, #tpu.memory_space<hbm>>
        %dma_start3A_60 = arith.constant 0 : i32
        %dma_start3A_61 = tpu.memref_slice %arg14[%mul3A_51, %dma_start3A_60] : memref<10000x128xf32, #tpu.memory_space<vmem_shared>> -> memref<632x128xf32, #tpu.memory_space<vmem_shared>>
        tpu.enqueue_dma source(%dma_start3A_61 : memref<632x128xf32, #tpu.memory_space<vmem_shared>>) target(%dma_start3A_59 : memref<632x128xf32, #tpu.memory_space<hbm>>) target_semaphore(%run_scoped3A : memref<!tpu.dma_semaphore, #tpu.memory_space<semaphore_mem>>)
        %dma_wait3A = arith.constant 0 : i32
        %dma_wait3A_62 = arith.constant 0 : i32
        %dma_wait3A_63 = tpu.memref_slice %arg5[%arg0, %dma_wait3A, %dma_wait3A_62] : memref<2x10000x128xf32, #tpu.memory_space<hbm>> -> memref<1x10000x128xf32, #tpu.memory_space<hbm>>
        %dma_wait3A_64 = tpu.memref_squeeze %dma_wait3A_63 : memref<1x10000x128xf32, #tpu.memory_space<hbm>> -> memref<10000x128xf32, #tpu.memory_space<hbm>>
        %dma_wait3A_65 = arith.constant 0 : i32
        %dma_wait3A_66 = tpu.memref_slice %dma_wait3A_64[%mul3A_53, %dma_wait3A_65] : memref<10000x128xf32, #tpu.memory_space<hbm>> -> memref<632x128xf32, #tpu.memory_space<hbm>>
        %dma_wait3A_67 = arith.constant 0 : i32
        %dma_wait3A_68 = tpu.memref_slice %arg14[%mul3A_51, %dma_wait3A_67] : memref<10000x128xf32, #tpu.memory_space<vmem_shared>> -> memref<632x128xf32, #tpu.memory_space<vmem_shared>>
        tpu.wait_dma2 semaphore(%run_scoped3A : memref<!tpu.dma_semaphore, #tpu.memory_space<semaphore_mem>>) src(%dma_wait3A_68 : memref<632x128xf32, #tpu.memory_space<vmem_shared>>) dst(%dma_wait3A_66 : memref<632x128xf32, #tpu.memory_space<hbm>>)
        tpu.yield
      }) : () -> ()
    } else {
    }
    %eq3A_45 = arith.constant 15 : i32
    %eq3A_46 = arith.cmpi eq, %arg1, %eq3A_45 : i32
    %convert_element_type3A_47 = arith.extui %eq3A_46 : i1 to i32
    %cond3A_48 = arith.constant 0 : i32
    %cond3A_49 = arith.cmpi ne, %convert_element_type3A_47, %cond3A_48 : i32
    scf.if %cond3A_49 {
      "tpu.region"() ({
        %run_scoped3A = tpu.sem_alloc : memref<!tpu.dma_semaphore, #tpu.memory_space<semaphore_mem>>
        %dma_start3A_50 = arith.constant 0 : i32
        %dma_start3A_51 = arith.constant 0 : i32
        %dma_start3A_52 = tpu.memref_slice %arg5[%arg0, %dma_start3A_50, %dma_start3A_51] : memref<2x10000x128xf32, #tpu.memory_space<hbm>> -> memref<1x10000x128xf32, #tpu.memory_space<hbm>>
        %dma_start3A_53 = tpu.memref_squeeze %dma_start3A_52 : memref<1x10000x128xf32, #tpu.memory_space<hbm>> -> memref<10000x128xf32, #tpu.memory_space<hbm>>
        %dma_start3A_54 = arith.constant 9480 : i32
        %dma_start3A_55 = arith.constant 0 : i32
        %dma_start3A_56 = tpu.memref_slice %dma_start3A_53[%dma_start3A_54, %dma_start3A_55] : memref<10000x128xf32, #tpu.memory_space<hbm>> -> memref<520x128xf32, #tpu.memory_space<hbm>>
        %dma_start3A_57 = arith.constant 9480 : i32
        %dma_start3A_58 = arith.constant 0 : i32
        %dma_start3A_59 = tpu.memref_slice %arg14[%dma_start3A_57, %dma_start3A_58] : memref<10000x128xf32, #tpu.memory_space<vmem_shared>> -> memref<520x128xf32, #tpu.memory_space<vmem_shared>>
        tpu.enqueue_dma source(%dma_start3A_59 : memref<520x128xf32, #tpu.memory_space<vmem_shared>>) target(%dma_start3A_56 : memref<520x128xf32, #tpu.memory_space<hbm>>) target_semaphore(%run_scoped3A : memref<!tpu.dma_semaphore, #tpu.memory_space<semaphore_mem>>)
        %dma_wait3A = arith.constant 0 : i32
        %dma_wait3A_60 = arith.constant 0 : i32
        %dma_wait3A_61 = tpu.memref_slice %arg5[%arg0, %dma_wait3A, %dma_wait3A_60] : memref<2x10000x128xf32, #tpu.memory_space<hbm>> -> memref<1x10000x128xf32, #tpu.memory_space<hbm>>
        %dma_wait3A_62 = tpu.memref_squeeze %dma_wait3A_61 : memref<1x10000x128xf32, #tpu.memory_space<hbm>> -> memref<10000x128xf32, #tpu.memory_space<hbm>>
        %dma_wait3A_63 = arith.constant 9480 : i32
        %dma_wait3A_64 = arith.constant 0 : i32
        %dma_wait3A_65 = tpu.memref_slice %dma_wait3A_62[%dma_wait3A_63, %dma_wait3A_64] : memref<10000x128xf32, #tpu.memory_space<hbm>> -> memref<520x128xf32, #tpu.memory_space<hbm>>
        %dma_wait3A_66 = arith.constant 9480 : i32
        %dma_wait3A_67 = arith.constant 0 : i32
        %dma_wait3A_68 = tpu.memref_slice %arg14[%dma_wait3A_66, %dma_wait3A_67] : memref<10000x128xf32, #tpu.memory_space<vmem_shared>> -> memref<520x128xf32, #tpu.memory_space<vmem_shared>>
        tpu.wait_dma2 semaphore(%run_scoped3A : memref<!tpu.dma_semaphore, #tpu.memory_space<semaphore_mem>>) src(%dma_wait3A_68 : memref<520x128xf32, #tpu.memory_space<vmem_shared>>) dst(%dma_wait3A_65 : memref<520x128xf32, #tpu.memory_space<hbm>>)
        tpu.yield
      }) : () -> ()
    } else {
    }
    return
  }
}

#map = affine_map<(d0, d1) -> (0, 0)>
#map1 = affine_map<(d0, d1) -> (0, 0, 0)>
module attributes {stable_mosaic.version = 14 : i64} {
  func.func @_sc_gather_body(%arg0: i32, %arg1: i32, %arg2: memref<40000x128xf32, #tpu.memory_space<hbm>>, %arg3: memref<32x250x80xi32, #tpu.memory_space<hbm>>, %arg4: memref<32x250x80xi32, #tpu.memory_space<hbm>>, %arg5: memref<640000x128xf32, #tpu.memory_space<hbm>>, %arg6: memref<640000x128xf32, #tpu.memory_space<hbm>>, %arg7: memref<250x80xi32, #tpu.memory_space<vmem>>, %arg8: memref<250x80xi32, #tpu.memory_space<vmem>>, %arg9: memref<80x128xf32, #tpu.memory_space<vmem>>, %arg10: memref<80x128xf32, #tpu.memory_space<vmem>>, %arg11: memref<80x128xf32, #tpu.memory_space<vmem>>, %arg12: memref<80x128xf32, #tpu.memory_space<vmem>>, %arg13: memref<!tpu.dma_semaphore, #tpu.memory_space<semaphore_mem>>, %arg14: memref<!tpu.dma_semaphore, #tpu.memory_space<semaphore_mem>>, %arg15: memref<!tpu.dma_semaphore, #tpu.memory_space<semaphore_mem>>, %arg16: memref<!tpu.dma_semaphore, #tpu.memory_space<semaphore_mem>>) attributes {dimension_semantics = [#tpu.dimension_semantics<core_parallel>, #tpu.dimension_semantics<subcore_parallel>], iteration_bounds = array<i64: 2, 16>, scalar_prefetch = 0 : i64, scratch_operands = 10 : i64, tpu.core_type = #tpu.core_type<sc_vector_subcore>, window_params = [{transform_indices = #map}, {transform_indices = #map1}, {transform_indices = #map1}, {transform_indices = #map}, {transform_indices = #map}]} {
    %mul3A = arith.constant 2 : i32
    %mul3A_0 = arith.muli %arg1, %mul3A : i32
    %add3A = arith.addi %mul3A_0, %arg0 : i32
    %mul3A_1 = arith.constant 20000 : i32
    %mul3A_2 = arith.muli %add3A, %mul3A_1 : i32
    "tpu.region"() ({
      %run_scoped3A = tpu.sem_alloc : memref<!tpu.dma_semaphore, #tpu.memory_space<semaphore_mem>>
      %dma_start3A_35 = arith.constant 0 : i32
      %dma_start3A_36 = arith.constant 0 : i32
      %dma_start3A_37 = tpu.memref_slice %arg3[%add3A, %dma_start3A_35, %dma_start3A_36] : memref<32x250x80xi32, #tpu.memory_space<hbm>> -> memref<1x250x80xi32, #tpu.memory_space<hbm>>
      %dma_start3A_38 = tpu.memref_squeeze %dma_start3A_37 : memref<1x250x80xi32, #tpu.memory_space<hbm>> -> memref<250x80xi32, #tpu.memory_space<hbm>>
      %dma_start3A_39 = arith.constant 0 : i32
      %dma_start3A_40 = arith.constant 0 : i32
      %dma_start3A_41 = tpu.memref_slice %arg3[%add3A, %dma_start3A_39, %dma_start3A_40] : memref<32x250x80xi32, #tpu.memory_space<hbm>> -> memref<1x250x80xi32, #tpu.memory_space<hbm>>
      %dma_start3A_42 = tpu.memref_squeeze %dma_start3A_41 : memref<1x250x80xi32, #tpu.memory_space<hbm>> -> memref<250x80xi32, #tpu.memory_space<hbm>>
      tpu.enqueue_dma source(%dma_start3A_42 : memref<250x80xi32, #tpu.memory_space<hbm>>) target(%arg7 : memref<250x80xi32, #tpu.memory_space<vmem>>) target_semaphore(%run_scoped3A : memref<!tpu.dma_semaphore, #tpu.memory_space<semaphore_mem>>)
      %dma_wait3A = arith.constant 0 : i32
      %dma_wait3A_43 = arith.constant 0 : i32
      %dma_wait3A_44 = tpu.memref_slice %arg3[%add3A, %dma_wait3A, %dma_wait3A_43] : memref<32x250x80xi32, #tpu.memory_space<hbm>> -> memref<1x250x80xi32, #tpu.memory_space<hbm>>
      %dma_wait3A_45 = tpu.memref_squeeze %dma_wait3A_44 : memref<1x250x80xi32, #tpu.memory_space<hbm>> -> memref<250x80xi32, #tpu.memory_space<hbm>>
      %dma_wait3A_46 = arith.constant 0 : i32
      %dma_wait3A_47 = arith.constant 0 : i32
      %dma_wait3A_48 = tpu.memref_slice %arg3[%add3A, %dma_wait3A_46, %dma_wait3A_47] : memref<32x250x80xi32, #tpu.memory_space<hbm>> -> memref<1x250x80xi32, #tpu.memory_space<hbm>>
      %dma_wait3A_49 = tpu.memref_squeeze %dma_wait3A_48 : memref<1x250x80xi32, #tpu.memory_space<hbm>> -> memref<250x80xi32, #tpu.memory_space<hbm>>
      tpu.wait_dma2 semaphore(%run_scoped3A : memref<!tpu.dma_semaphore, #tpu.memory_space<semaphore_mem>>) src(%dma_wait3A_49 : memref<250x80xi32, #tpu.memory_space<hbm>>) dst(%arg7 : memref<250x80xi32, #tpu.memory_space<vmem>>)
      tpu.yield
    }) : () -> ()
    "tpu.region"() ({
      %run_scoped3A = tpu.sem_alloc : memref<!tpu.dma_semaphore, #tpu.memory_space<semaphore_mem>>
      %dma_start3A_35 = arith.constant 0 : i32
      %dma_start3A_36 = arith.constant 0 : i32
      %dma_start3A_37 = tpu.memref_slice %arg4[%add3A, %dma_start3A_35, %dma_start3A_36] : memref<32x250x80xi32, #tpu.memory_space<hbm>> -> memref<1x250x80xi32, #tpu.memory_space<hbm>>
      %dma_start3A_38 = tpu.memref_squeeze %dma_start3A_37 : memref<1x250x80xi32, #tpu.memory_space<hbm>> -> memref<250x80xi32, #tpu.memory_space<hbm>>
      %dma_start3A_39 = arith.constant 0 : i32
      %dma_start3A_40 = arith.constant 0 : i32
      %dma_start3A_41 = tpu.memref_slice %arg4[%add3A, %dma_start3A_39, %dma_start3A_40] : memref<32x250x80xi32, #tpu.memory_space<hbm>> -> memref<1x250x80xi32, #tpu.memory_space<hbm>>
      %dma_start3A_42 = tpu.memref_squeeze %dma_start3A_41 : memref<1x250x80xi32, #tpu.memory_space<hbm>> -> memref<250x80xi32, #tpu.memory_space<hbm>>
      tpu.enqueue_dma source(%dma_start3A_42 : memref<250x80xi32, #tpu.memory_space<hbm>>) target(%arg8 : memref<250x80xi32, #tpu.memory_space<vmem>>) target_semaphore(%run_scoped3A : memref<!tpu.dma_semaphore, #tpu.memory_space<semaphore_mem>>)
      %dma_wait3A = arith.constant 0 : i32
      %dma_wait3A_43 = arith.constant 0 : i32
      %dma_wait3A_44 = tpu.memref_slice %arg4[%add3A, %dma_wait3A, %dma_wait3A_43] : memref<32x250x80xi32, #tpu.memory_space<hbm>> -> memref<1x250x80xi32, #tpu.memory_space<hbm>>
      %dma_wait3A_45 = tpu.memref_squeeze %dma_wait3A_44 : memref<1x250x80xi32, #tpu.memory_space<hbm>> -> memref<250x80xi32, #tpu.memory_space<hbm>>
      %dma_wait3A_46 = arith.constant 0 : i32
      %dma_wait3A_47 = arith.constant 0 : i32
      %dma_wait3A_48 = tpu.memref_slice %arg4[%add3A, %dma_wait3A_46, %dma_wait3A_47] : memref<32x250x80xi32, #tpu.memory_space<hbm>> -> memref<1x250x80xi32, #tpu.memory_space<hbm>>
      %dma_wait3A_49 = tpu.memref_squeeze %dma_wait3A_48 : memref<1x250x80xi32, #tpu.memory_space<hbm>> -> memref<250x80xi32, #tpu.memory_space<hbm>>
      tpu.wait_dma2 semaphore(%run_scoped3A : memref<!tpu.dma_semaphore, #tpu.memory_space<semaphore_mem>>) src(%dma_wait3A_49 : memref<250x80xi32, #tpu.memory_space<hbm>>) dst(%arg8 : memref<250x80xi32, #tpu.memory_space<vmem>>)
      tpu.yield
    }) : () -> ()
    %dma_start3A = arith.constant 0 : i32
    %dma_start3A_3 = arith.constant 0 : i32
    %dma_start3A_4 = tpu.memref_slice %arg7[%dma_start3A, %dma_start3A_3] : memref<250x80xi32, #tpu.memory_space<vmem>> -> memref<1x80xi32, #tpu.memory_space<vmem>>
    %dma_start3A_5 = tpu.memref_squeeze %dma_start3A_4 : memref<1x80xi32, #tpu.memory_space<vmem>> -> memref<80xi32, #tpu.memory_space<vmem>>
    %dma_start3A_6 = arith.constant 0 : i32
    %dma_start3A_7 = arith.constant 0 : i32
    %dma_start3A_8 = tpu.memref_slice %arg2[%dma_start3A_6, %dma_start3A_7] : memref<40000x128xf32, #tpu.memory_space<hbm>> -> memref<40000x128xf32, #tpu.memory_space<hbm>>
    tpu.enqueue_indirect_dma source(%dma_start3A_8 : memref<40000x128xf32, #tpu.memory_space<hbm>>) target(%arg9 : memref<80x128xf32, #tpu.memory_space<vmem>>) offsets(%dma_start3A_5 : memref<80xi32, #tpu.memory_space<vmem>>) semaphore(%arg13 : memref<!tpu.dma_semaphore, #tpu.memory_space<semaphore_mem>>)
    %dma_start3A_9 = arith.constant 0 : i32
    %dma_start3A_10 = arith.constant 0 : i32
    %dma_start3A_11 = tpu.memref_slice %arg8[%dma_start3A_9, %dma_start3A_10] : memref<250x80xi32, #tpu.memory_space<vmem>> -> memref<1x80xi32, #tpu.memory_space<vmem>>
    %dma_start3A_12 = tpu.memref_squeeze %dma_start3A_11 : memref<1x80xi32, #tpu.memory_space<vmem>> -> memref<80xi32, #tpu.memory_space<vmem>>
    %dma_start3A_13 = arith.constant 0 : i32
    %dma_start3A_14 = arith.constant 0 : i32
    %dma_start3A_15 = tpu.memref_slice %arg2[%dma_start3A_13, %dma_start3A_14] : memref<40000x128xf32, #tpu.memory_space<hbm>> -> memref<40000x128xf32, #tpu.memory_space<hbm>>
    tpu.enqueue_indirect_dma source(%dma_start3A_15 : memref<40000x128xf32, #tpu.memory_space<hbm>>) target(%arg11 : memref<80x128xf32, #tpu.memory_space<vmem>>) offsets(%dma_start3A_12 : memref<80xi32, #tpu.memory_space<vmem>>) semaphore(%arg15 : memref<!tpu.dma_semaphore, #tpu.memory_space<semaphore_mem>>)
    %dma_start3A_16 = arith.constant 1 : i32
    %dma_start3A_17 = arith.constant 0 : i32
    %dma_start3A_18 = tpu.memref_slice %arg7[%dma_start3A_16, %dma_start3A_17] : memref<250x80xi32, #tpu.memory_space<vmem>> -> memref<1x80xi32, #tpu.memory_space<vmem>>
    %dma_start3A_19 = tpu.memref_squeeze %dma_start3A_18 : memref<1x80xi32, #tpu.memory_space<vmem>> -> memref<80xi32, #tpu.memory_space<vmem>>
    %dma_start3A_20 = arith.constant 0 : i32
    %dma_start3A_21 = arith.constant 0 : i32
    %dma_start3A_22 = tpu.memref_slice %arg2[%dma_start3A_20, %dma_start3A_21] : memref<40000x128xf32, #tpu.memory_space<hbm>> -> memref<40000x128xf32, #tpu.memory_space<hbm>>
    tpu.enqueue_indirect_dma source(%dma_start3A_22 : memref<40000x128xf32, #tpu.memory_space<hbm>>) target(%arg10 : memref<80x128xf32, #tpu.memory_space<vmem>>) offsets(%dma_start3A_19 : memref<80xi32, #tpu.memory_space<vmem>>) semaphore(%arg14 : memref<!tpu.dma_semaphore, #tpu.memory_space<semaphore_mem>>)
    %dma_start3A_23 = arith.constant 1 : i32
    %dma_start3A_24 = arith.constant 0 : i32
    %dma_start3A_25 = tpu.memref_slice %arg8[%dma_start3A_23, %dma_start3A_24] : memref<250x80xi32, #tpu.memory_space<vmem>> -> memref<1x80xi32, #tpu.memory_space<vmem>>
    %dma_start3A_26 = tpu.memref_squeeze %dma_start3A_25 : memref<1x80xi32, #tpu.memory_space<vmem>> -> memref<80xi32, #tpu.memory_space<vmem>>
    %dma_start3A_27 = arith.constant 0 : i32
    %dma_start3A_28 = arith.constant 0 : i32
    %dma_start3A_29 = tpu.memref_slice %arg2[%dma_start3A_27, %dma_start3A_28] : memref<40000x128xf32, #tpu.memory_space<hbm>> -> memref<40000x128xf32, #tpu.memory_space<hbm>>
    tpu.enqueue_indirect_dma source(%dma_start3A_29 : memref<40000x128xf32, #tpu.memory_space<hbm>>) target(%arg12 : memref<80x128xf32, #tpu.memory_space<vmem>>) offsets(%dma_start3A_26 : memref<80xi32, #tpu.memory_space<vmem>>) semaphore(%arg16 : memref<!tpu.dma_semaphore, #tpu.memory_space<semaphore_mem>>)
    %scan3A = arith.constant 0 : i32
    %scan3A_30 = arith.constant 0 : i32
    %scan3A_31 = arith.constant 125 : i32
    %scan3A_32 = arith.addi %scan3A_30, %scan3A_31 : i32
    %scan3A_33 = arith.constant 1 : i32
    scf.for %scan3A_35 = %scan3A_30 to %scan3A_32 step %scan3A_33  : i32 {
      %mul3A_36 = arith.constant 2 : i32
      %mul3A_37 = arith.muli %scan3A_35, %mul3A_36 : i32
      %add3A_38 = arith.constant 0 : i32
      %add3A_39 = arith.addi %mul3A_37, %add3A_38 : i32
      %mul3A_40 = arith.constant 80 : i32
      %mul3A_41 = arith.muli %add3A_39, %mul3A_40 : i32
      %add3A_42 = arith.addi %mul3A_2, %mul3A_41 : i32
      %dma_wait3A = arith.constant 0 : i32
      %dma_wait3A_43 = tpu.memref_slice %arg7[%add3A_39, %dma_wait3A] : memref<250x80xi32, #tpu.memory_space<vmem>> -> memref<1x80xi32, #tpu.memory_space<vmem>>
      %dma_wait3A_44 = tpu.memref_squeeze %dma_wait3A_43 : memref<1x80xi32, #tpu.memory_space<vmem>> -> memref<80xi32, #tpu.memory_space<vmem>>
      %dma_wait3A_45 = arith.constant 0 : i32
      %dma_wait3A_46 = arith.constant 0 : i32
      %dma_wait3A_47 = tpu.memref_slice %arg2[%dma_wait3A_45, %dma_wait3A_46] : memref<40000x128xf32, #tpu.memory_space<hbm>> -> memref<40000x128xf32, #tpu.memory_space<hbm>>
      tpu.wait_indirect_dma semaphore(%arg13 : memref<!tpu.dma_semaphore, #tpu.memory_space<semaphore_mem>>) src(%dma_wait3A_47 : memref<40000x128xf32, #tpu.memory_space<hbm>>) dst(%arg9 : memref<80x128xf32, #tpu.memory_space<vmem>>)
      "tpu.region"() ({
        %run_scoped3A = tpu.sem_alloc : memref<!tpu.dma_semaphore, #tpu.memory_space<semaphore_mem>>
        %dma_start3A_84 = arith.constant 0 : i32
        %dma_start3A_85 = tpu.memref_slice %arg5[%add3A_42, %dma_start3A_84] : memref<640000x128xf32, #tpu.memory_space<hbm>> -> memref<80x128xf32, #tpu.memory_space<hbm>>
        %dma_start3A_86 = arith.constant 0 : i32
        %dma_start3A_87 = tpu.memref_slice %arg5[%add3A_42, %dma_start3A_86] : memref<640000x128xf32, #tpu.memory_space<hbm>> -> memref<80x128xf32, #tpu.memory_space<hbm>>
        tpu.enqueue_dma source(%arg9 : memref<80x128xf32, #tpu.memory_space<vmem>>) target(%dma_start3A_87 : memref<80x128xf32, #tpu.memory_space<hbm>>) target_semaphore(%run_scoped3A : memref<!tpu.dma_semaphore, #tpu.memory_space<semaphore_mem>>)
        %dma_wait3A_88 = arith.constant 0 : i32
        %dma_wait3A_89 = tpu.memref_slice %arg5[%add3A_42, %dma_wait3A_88] : memref<640000x128xf32, #tpu.memory_space<hbm>> -> memref<80x128xf32, #tpu.memory_space<hbm>>
        %dma_wait3A_90 = arith.constant 0 : i32
        %dma_wait3A_91 = tpu.memref_slice %arg5[%add3A_42, %dma_wait3A_90] : memref<640000x128xf32, #tpu.memory_space<hbm>> -> memref<80x128xf32, #tpu.memory_space<hbm>>
        tpu.wait_dma2 semaphore(%run_scoped3A : memref<!tpu.dma_semaphore, #tpu.memory_space<semaphore_mem>>) src(%arg9 : memref<80x128xf32, #tpu.memory_space<vmem>>) dst(%dma_wait3A_91 : memref<80x128xf32, #tpu.memory_space<hbm>>)
        tpu.yield
      }) : () -> ()
      %dma_wait3A_48 = arith.constant 0 : i32
      %dma_wait3A_49 = tpu.memref_slice %arg8[%add3A_39, %dma_wait3A_48] : memref<250x80xi32, #tpu.memory_space<vmem>> -> memref<1x80xi32, #tpu.memory_space<vmem>>
      %dma_wait3A_50 = tpu.memref_squeeze %dma_wait3A_49 : memref<1x80xi32, #tpu.memory_space<vmem>> -> memref<80xi32, #tpu.memory_space<vmem>>
      %dma_wait3A_51 = arith.constant 0 : i32
      %dma_wait3A_52 = arith.constant 0 : i32
      %dma_wait3A_53 = tpu.memref_slice %arg2[%dma_wait3A_51, %dma_wait3A_52] : memref<40000x128xf32, #tpu.memory_space<hbm>> -> memref<40000x128xf32, #tpu.memory_space<hbm>>
      tpu.wait_indirect_dma semaphore(%arg15 : memref<!tpu.dma_semaphore, #tpu.memory_space<semaphore_mem>>) src(%dma_wait3A_53 : memref<40000x128xf32, #tpu.memory_space<hbm>>) dst(%arg11 : memref<80x128xf32, #tpu.memory_space<vmem>>)
      "tpu.region"() ({
        %run_scoped3A = tpu.sem_alloc : memref<!tpu.dma_semaphore, #tpu.memory_space<semaphore_mem>>
        %dma_start3A_84 = arith.constant 0 : i32
        %dma_start3A_85 = tpu.memref_slice %arg6[%add3A_42, %dma_start3A_84] : memref<640000x128xf32, #tpu.memory_space<hbm>> -> memref<80x128xf32, #tpu.memory_space<hbm>>
        %dma_start3A_86 = arith.constant 0 : i32
        %dma_start3A_87 = tpu.memref_slice %arg6[%add3A_42, %dma_start3A_86] : memref<640000x128xf32, #tpu.memory_space<hbm>> -> memref<80x128xf32, #tpu.memory_space<hbm>>
        tpu.enqueue_dma source(%arg11 : memref<80x128xf32, #tpu.memory_space<vmem>>) target(%dma_start3A_87 : memref<80x128xf32, #tpu.memory_space<hbm>>) target_semaphore(%run_scoped3A : memref<!tpu.dma_semaphore, #tpu.memory_space<semaphore_mem>>)
        %dma_wait3A_88 = arith.constant 0 : i32
        %dma_wait3A_89 = tpu.memref_slice %arg6[%add3A_42, %dma_wait3A_88] : memref<640000x128xf32, #tpu.memory_space<hbm>> -> memref<80x128xf32, #tpu.memory_space<hbm>>
        %dma_wait3A_90 = arith.constant 0 : i32
        %dma_wait3A_91 = tpu.memref_slice %arg6[%add3A_42, %dma_wait3A_90] : memref<640000x128xf32, #tpu.memory_space<hbm>> -> memref<80x128xf32, #tpu.memory_space<hbm>>
        tpu.wait_dma2 semaphore(%run_scoped3A : memref<!tpu.dma_semaphore, #tpu.memory_space<semaphore_mem>>) src(%arg11 : memref<80x128xf32, #tpu.memory_space<vmem>>) dst(%dma_wait3A_91 : memref<80x128xf32, #tpu.memory_space<hbm>>)
        tpu.yield
      }) : () -> ()
      %add3A_54 = arith.constant 2 : i32
      %add3A_55 = arith.addi %add3A_39, %add3A_54 : i32
      %lt3A = arith.constant 250 : i32
      %lt3A_56 = arith.cmpi slt, %add3A_55, %lt3A : i32
      %convert_element_type3A = arith.extui %lt3A_56 : i1 to i32
      %cond3A = arith.constant 0 : i32
      %cond3A_57 = arith.cmpi ne, %convert_element_type3A, %cond3A : i32
      scf.if %cond3A_57 {
        %dma_start3A_84 = arith.constant 0 : i32
        %dma_start3A_85 = tpu.memref_slice %arg7[%add3A_55, %dma_start3A_84] : memref<250x80xi32, #tpu.memory_space<vmem>> -> memref<1x80xi32, #tpu.memory_space<vmem>>
        %dma_start3A_86 = tpu.memref_squeeze %dma_start3A_85 : memref<1x80xi32, #tpu.memory_space<vmem>> -> memref<80xi32, #tpu.memory_space<vmem>>
        %dma_start3A_87 = arith.constant 0 : i32
        %dma_start3A_88 = arith.constant 0 : i32
        %dma_start3A_89 = tpu.memref_slice %arg2[%dma_start3A_87, %dma_start3A_88] : memref<40000x128xf32, #tpu.memory_space<hbm>> -> memref<40000x128xf32, #tpu.memory_space<hbm>>
        tpu.enqueue_indirect_dma source(%dma_start3A_89 : memref<40000x128xf32, #tpu.memory_space<hbm>>) target(%arg9 : memref<80x128xf32, #tpu.memory_space<vmem>>) offsets(%dma_start3A_86 : memref<80xi32, #tpu.memory_space<vmem>>) semaphore(%arg13 : memref<!tpu.dma_semaphore, #tpu.memory_space<semaphore_mem>>)
        %dma_start3A_90 = arith.constant 0 : i32
        %dma_start3A_91 = tpu.memref_slice %arg8[%add3A_55, %dma_start3A_90] : memref<250x80xi32, #tpu.memory_space<vmem>> -> memref<1x80xi32, #tpu.memory_space<vmem>>
        %dma_start3A_92 = tpu.memref_squeeze %dma_start3A_91 : memref<1x80xi32, #tpu.memory_space<vmem>> -> memref<80xi32, #tpu.memory_space<vmem>>
        %dma_start3A_93 = arith.constant 0 : i32
        %dma_start3A_94 = arith.constant 0 : i32
        %dma_start3A_95 = tpu.memref_slice %arg2[%dma_start3A_93, %dma_start3A_94] : memref<40000x128xf32, #tpu.memory_space<hbm>> -> memref<40000x128xf32, #tpu.memory_space<hbm>>
        tpu.enqueue_indirect_dma source(%dma_start3A_95 : memref<40000x128xf32, #tpu.memory_space<hbm>>) target(%arg11 : memref<80x128xf32, #tpu.memory_space<vmem>>) offsets(%dma_start3A_92 : memref<80xi32, #tpu.memory_space<vmem>>) semaphore(%arg15 : memref<!tpu.dma_semaphore, #tpu.memory_space<semaphore_mem>>)
      } else {
      }
      %mul3A_58 = arith.constant 2 : i32
      %mul3A_59 = arith.muli %scan3A_35, %mul3A_58 : i32
      %add3A_60 = arith.constant 1 : i32
      %add3A_61 = arith.addi %mul3A_59, %add3A_60 : i32
      %mul3A_62 = arith.constant 80 : i32
      %mul3A_63 = arith.muli %add3A_61, %mul3A_62 : i32
      %add3A_64 = arith.addi %mul3A_2, %mul3A_63 : i32
      %dma_wait3A_65 = arith.constant 0 : i32
      %dma_wait3A_66 = tpu.memref_slice %arg7[%add3A_61, %dma_wait3A_65] : memref<250x80xi32, #tpu.memory_space<vmem>> -> memref<1x80xi32, #tpu.memory_space<vmem>>
      %dma_wait3A_67 = tpu.memref_squeeze %dma_wait3A_66 : memref<1x80xi32, #tpu.memory_space<vmem>> -> memref<80xi32, #tpu.memory_space<vmem>>
      %dma_wait3A_68 = arith.constant 0 : i32
      %dma_wait3A_69 = arith.constant 0 : i32
      %dma_wait3A_70 = tpu.memref_slice %arg2[%dma_wait3A_68, %dma_wait3A_69] : memref<40000x128xf32, #tpu.memory_space<hbm>> -> memref<40000x128xf32, #tpu.memory_space<hbm>>
      tpu.wait_indirect_dma semaphore(%arg14 : memref<!tpu.dma_semaphore, #tpu.memory_space<semaphore_mem>>) src(%dma_wait3A_70 : memref<40000x128xf32, #tpu.memory_space<hbm>>) dst(%arg10 : memref<80x128xf32, #tpu.memory_space<vmem>>)
      "tpu.region"() ({
        %run_scoped3A = tpu.sem_alloc : memref<!tpu.dma_semaphore, #tpu.memory_space<semaphore_mem>>
        %dma_start3A_84 = arith.constant 0 : i32
        %dma_start3A_85 = tpu.memref_slice %arg5[%add3A_64, %dma_start3A_84] : memref<640000x128xf32, #tpu.memory_space<hbm>> -> memref<80x128xf32, #tpu.memory_space<hbm>>
        %dma_start3A_86 = arith.constant 0 : i32
        %dma_start3A_87 = tpu.memref_slice %arg5[%add3A_64, %dma_start3A_86] : memref<640000x128xf32, #tpu.memory_space<hbm>> -> memref<80x128xf32, #tpu.memory_space<hbm>>
        tpu.enqueue_dma source(%arg10 : memref<80x128xf32, #tpu.memory_space<vmem>>) target(%dma_start3A_87 : memref<80x128xf32, #tpu.memory_space<hbm>>) target_semaphore(%run_scoped3A : memref<!tpu.dma_semaphore, #tpu.memory_space<semaphore_mem>>)
        %dma_wait3A_88 = arith.constant 0 : i32
        %dma_wait3A_89 = tpu.memref_slice %arg5[%add3A_64, %dma_wait3A_88] : memref<640000x128xf32, #tpu.memory_space<hbm>> -> memref<80x128xf32, #tpu.memory_space<hbm>>
        %dma_wait3A_90 = arith.constant 0 : i32
        %dma_wait3A_91 = tpu.memref_slice %arg5[%add3A_64, %dma_wait3A_90] : memref<640000x128xf32, #tpu.memory_space<hbm>> -> memref<80x128xf32, #tpu.memory_space<hbm>>
        tpu.wait_dma2 semaphore(%run_scoped3A : memref<!tpu.dma_semaphore, #tpu.memory_space<semaphore_mem>>) src(%arg10 : memref<80x128xf32, #tpu.memory_space<vmem>>) dst(%dma_wait3A_91 : memref<80x128xf32, #tpu.memory_space<hbm>>)
        tpu.yield
      }) : () -> ()
      %dma_wait3A_71 = arith.constant 0 : i32
      %dma_wait3A_72 = tpu.memref_slice %arg8[%add3A_61, %dma_wait3A_71] : memref<250x80xi32, #tpu.memory_space<vmem>> -> memref<1x80xi32, #tpu.memory_space<vmem>>
      %dma_wait3A_73 = tpu.memref_squeeze %dma_wait3A_72 : memref<1x80xi32, #tpu.memory_space<vmem>> -> memref<80xi32, #tpu.memory_space<vmem>>
      %dma_wait3A_74 = arith.constant 0 : i32
      %dma_wait3A_75 = arith.constant 0 : i32
      %dma_wait3A_76 = tpu.memref_slice %arg2[%dma_wait3A_74, %dma_wait3A_75] : memref<40000x128xf32, #tpu.memory_space<hbm>> -> memref<40000x128xf32, #tpu.memory_space<hbm>>
      tpu.wait_indirect_dma semaphore(%arg16 : memref<!tpu.dma_semaphore, #tpu.memory_space<semaphore_mem>>) src(%dma_wait3A_76 : memref<40000x128xf32, #tpu.memory_space<hbm>>) dst(%arg12 : memref<80x128xf32, #tpu.memory_space<vmem>>)
      "tpu.region"() ({
        %run_scoped3A = tpu.sem_alloc : memref<!tpu.dma_semaphore, #tpu.memory_space<semaphore_mem>>
        %dma_start3A_84 = arith.constant 0 : i32
        %dma_start3A_85 = tpu.memref_slice %arg6[%add3A_64, %dma_start3A_84] : memref<640000x128xf32, #tpu.memory_space<hbm>> -> memref<80x128xf32, #tpu.memory_space<hbm>>
        %dma_start3A_86 = arith.constant 0 : i32
        %dma_start3A_87 = tpu.memref_slice %arg6[%add3A_64, %dma_start3A_86] : memref<640000x128xf32, #tpu.memory_space<hbm>> -> memref<80x128xf32, #tpu.memory_space<hbm>>
        tpu.enqueue_dma source(%arg12 : memref<80x128xf32, #tpu.memory_space<vmem>>) target(%dma_start3A_87 : memref<80x128xf32, #tpu.memory_space<hbm>>) target_semaphore(%run_scoped3A : memref<!tpu.dma_semaphore, #tpu.memory_space<semaphore_mem>>)
        %dma_wait3A_88 = arith.constant 0 : i32
        %dma_wait3A_89 = tpu.memref_slice %arg6[%add3A_64, %dma_wait3A_88] : memref<640000x128xf32, #tpu.memory_space<hbm>> -> memref<80x128xf32, #tpu.memory_space<hbm>>
        %dma_wait3A_90 = arith.constant 0 : i32
        %dma_wait3A_91 = tpu.memref_slice %arg6[%add3A_64, %dma_wait3A_90] : memref<640000x128xf32, #tpu.memory_space<hbm>> -> memref<80x128xf32, #tpu.memory_space<hbm>>
        tpu.wait_dma2 semaphore(%run_scoped3A : memref<!tpu.dma_semaphore, #tpu.memory_space<semaphore_mem>>) src(%arg12 : memref<80x128xf32, #tpu.memory_space<vmem>>) dst(%dma_wait3A_91 : memref<80x128xf32, #tpu.memory_space<hbm>>)
        tpu.yield
      }) : () -> ()
      %add3A_77 = arith.constant 2 : i32
      %add3A_78 = arith.addi %add3A_61, %add3A_77 : i32
      %lt3A_79 = arith.constant 250 : i32
      %lt3A_80 = arith.cmpi slt, %add3A_78, %lt3A_79 : i32
      %convert_element_type3A_81 = arith.extui %lt3A_80 : i1 to i32
      %cond3A_82 = arith.constant 0 : i32
      %cond3A_83 = arith.cmpi ne, %convert_element_type3A_81, %cond3A_82 : i32
      scf.if %cond3A_83 {
        %dma_start3A_84 = arith.constant 0 : i32
        %dma_start3A_85 = tpu.memref_slice %arg7[%add3A_78, %dma_start3A_84] : memref<250x80xi32, #tpu.memory_space<vmem>> -> memref<1x80xi32, #tpu.memory_space<vmem>>
        %dma_start3A_86 = tpu.memref_squeeze %dma_start3A_85 : memref<1x80xi32, #tpu.memory_space<vmem>> -> memref<80xi32, #tpu.memory_space<vmem>>
        %dma_start3A_87 = arith.constant 0 : i32
        %dma_start3A_88 = arith.constant 0 : i32
        %dma_start3A_89 = tpu.memref_slice %arg2[%dma_start3A_87, %dma_start3A_88] : memref<40000x128xf32, #tpu.memory_space<hbm>> -> memref<40000x128xf32, #tpu.memory_space<hbm>>
        tpu.enqueue_indirect_dma source(%dma_start3A_89 : memref<40000x128xf32, #tpu.memory_space<hbm>>) target(%arg10 : memref<80x128xf32, #tpu.memory_space<vmem>>) offsets(%dma_start3A_86 : memref<80xi32, #tpu.memory_space<vmem>>) semaphore(%arg14 : memref<!tpu.dma_semaphore, #tpu.memory_space<semaphore_mem>>)
        %dma_start3A_90 = arith.constant 0 : i32
        %dma_start3A_91 = tpu.memref_slice %arg8[%add3A_78, %dma_start3A_90] : memref<250x80xi32, #tpu.memory_space<vmem>> -> memref<1x80xi32, #tpu.memory_space<vmem>>
        %dma_start3A_92 = tpu.memref_squeeze %dma_start3A_91 : memref<1x80xi32, #tpu.memory_space<vmem>> -> memref<80xi32, #tpu.memory_space<vmem>>
        %dma_start3A_93 = arith.constant 0 : i32
        %dma_start3A_94 = arith.constant 0 : i32
        %dma_start3A_95 = tpu.memref_slice %arg2[%dma_start3A_93, %dma_start3A_94] : memref<40000x128xf32, #tpu.memory_space<hbm>> -> memref<40000x128xf32, #tpu.memory_space<hbm>>
        tpu.enqueue_indirect_dma source(%dma_start3A_95 : memref<40000x128xf32, #tpu.memory_space<hbm>>) target(%arg12 : memref<80x128xf32, #tpu.memory_space<vmem>>) offsets(%dma_start3A_92 : memref<80xi32, #tpu.memory_space<vmem>>) semaphore(%arg16 : memref<!tpu.dma_semaphore, #tpu.memory_space<semaphore_mem>>)
      } else {
      }
    }
    %scan3A_34 = arith.constant 125 : i32
    return
  }
}

module attributes {stable_mosaic.version = 14 : i64} {
  func.func @_proj_body(%arg0: i32, %arg1: i32, %arg2: memref<1x2000x128xf32, #tpu.memory_space<vmem>>, %arg3: memref<1x128x128xf32, #tpu.memory_space<vmem>>, %arg4: memref<2000x128xf32, #tpu.memory_space<vmem>>) attributes {dimension_semantics = [#tpu.dimension_semantics<arbitrary>, #tpu.dimension_semantics<arbitrary>], iteration_bounds = array<i64: 4, 5>, scalar_prefetch = 0 : i64, scratch_operands = 0 : i64, tpu.core_type = #tpu.core_type<tc>, window_params = [{transform_indices = @transform_0, window_bounds = array<i64: 1, 2000, 128>}, {transform_indices = @transform_1, window_bounds = array<i64: 1, 128, 128>}, {transform_indices = @transform_2, window_bounds = array<i64: 2000, 128>}]} {
    %get3A = arith.constant 0 : index
    %get3A_0 = arith.constant 0 : index
    %get3A_1 = arith.constant 0 : index
    %get3A_2 = vector.load %arg2[%get3A, %get3A_0, %get3A_1] : memref<1x2000x128xf32, #tpu.memory_space<vmem>>, vector<1x2000x128xf32>
    %get3A_3 = vector.shape_cast %get3A_2 : vector<1x2000x128xf32> to vector<2000x128xf32>
    %get3A_4 = arith.constant 0 : index
    %get3A_5 = arith.constant 0 : index
    %get3A_6 = arith.constant 0 : index
    %get3A_7 = vector.load %arg3[%get3A_4, %get3A_5, %get3A_6] : memref<1x128x128xf32, #tpu.memory_space<vmem>>, vector<1x128x128xf32>
    %get3A_8 = vector.shape_cast %get3A_7 : vector<1x128x128xf32> to vector<128x128xf32>
    %dot_general3A = arith.constant dense<0.000000e+00> : vector<2000x128xf32>
    %dot_general3A_9 = tpu.matmul %get3A_3, %get3A_8, %dot_general3A {dimension_numbers = #tpu.dot_dimension_numbers<[1], [0], [0], [1], [0, 0, 1, 1], [], []>, transpose_lhs_hint = false} : vector<2000x128xf32>, vector<128x128xf32>, vector<2000x128xf32> -> vector<2000x128xf32>
    %swap3A = arith.constant 0 : index
    %swap3A_10 = arith.constant 0 : index
    %swap3A_11 = vector.load %arg4[%swap3A, %swap3A_10] : memref<2000x128xf32, #tpu.memory_space<vmem>>, vector<2000x128xf32>
    tpu.vector_store %arg4[%swap3A, %swap3A_10], %dot_general3A_9 {strides = array<i32>} : memref<2000x128xf32, #tpu.memory_space<vmem>>, vector<2000x128xf32>,
    return
  }
  func.func @transform_0(%arg0: i32, %arg1: i32) -> (i32, i32, i32) {
    %jit3A = arith.constant 2 : i32
    %div3A = arith.divsi %arg0, %jit3A : i32
    %sign3A = arith.constant 0 : i32
    %sign3A_0 = arith.cmpi sgt, %arg0, %sign3A : i32
    %sign3A_1 = arith.extui %sign3A_0 : i1 to i32
    %sign3A_2 = arith.constant 0 : i32
    %sign3A_3 = arith.cmpi slt, %arg0, %sign3A_2 : i32
    %sign3A_4 = arith.extui %sign3A_3 : i1 to i32
    %sign3A_5 = arith.subi %sign3A_1, %sign3A_4 : i32
    %sign3A_6 = arith.constant 0 : i32
    %sign3A_7 = arith.cmpi sgt, %jit3A, %sign3A_6 : i32
    %sign3A_8 = arith.extui %sign3A_7 : i1 to i32
    %sign3A_9 = arith.constant 0 : i32
    %sign3A_10 = arith.cmpi slt, %jit3A, %sign3A_9 : i32
    %sign3A_11 = arith.extui %sign3A_10 : i1 to i32
    %sign3A_12 = arith.subi %sign3A_8, %sign3A_11 : i32
    %ne3A = arith.cmpi ne, %sign3A_5, %sign3A_12 : i32
    %rem3A = arith.remsi %arg0, %jit3A : i32
    %ne3A_13 = arith.constant 0 : i32
    %ne3A_14 = arith.cmpi ne, %rem3A, %ne3A_13 : i32
    %and3A = arith.andi %ne3A, %ne3A_14 : i1
    %sub3A = arith.constant 1 : i32
    %sub3A_15 = arith.subi %div3A, %sub3A : i32
    %select_n3A = arith.select %and3A, %sub3A_15, %div3A : i32
    %c0_i32 = arith.constant 0 : i32
    %c0_i32_16 = arith.constant 0 : i32
    return %select_n3A, %arg1, %c0_i32 : i32, i32, i32
  }
  func.func @transform_1(%arg0: i32, %arg1: i32) -> (i32, i32, i32) {
    %c0_i32 = arith.constant 0 : i32
    %c0_i32_0 = arith.constant 0 : i32
    %c0_i32_1 = arith.constant 0 : i32
    return %arg0, %c0_i32, %c0_i32_0 : i32, i32, i32
  }
  func.func @transform_2(%arg0: i32, %arg1: i32) -> (i32, i32) {
    %mul3A = arith.constant 5 : i32
    %mul3A_0 = arith.muli %arg0, %mul3A : i32
    %add3A = arith.addi %mul3A_0, %arg1 : i32
    %c0_i32 = arith.constant 0 : i32
    %c0_i32_1 = arith.constant 0 : i32
    return %add3A, %c0_i32 : i32, i32
  }
}

module attributes {stable_mosaic.version = 14 : i64} {
  func.func @_mlp_body(%arg0: i32, %arg1: memref<1000x128xf32, #tpu.memory_space<vmem>>, %arg2: memref<1000x128xf32, #tpu.memory_space<vmem>>, %arg3: memref<1000x16xf32, #tpu.memory_space<vmem>>, %arg4: memref<1x16x128xf32, #tpu.memory_space<vmem>>, %arg5: memref<1x1x128xf32, #tpu.memory_space<vmem>>, %arg6: memref<1x128x128xf32, #tpu.memory_space<vmem>>, %arg7: memref<1x1x128xf32, #tpu.memory_space<vmem>>, %arg8: memref<1000x128xf32, #tpu.memory_space<vmem>>) attributes {dimension_semantics = [#tpu.dimension_semantics<arbitrary>], iteration_bounds = array<i64: 640>, scalar_prefetch = 0 : i64, scratch_operands = 0 : i64, tpu.core_type = #tpu.core_type<tc>, window_params = [{transform_indices = @transform_0, window_bounds = array<i64: 1000, 128>}, {transform_indices = @transform_1, window_bounds = array<i64: 1000, 128>}, {transform_indices = @transform_2, window_bounds = array<i64: 1000, 16>}, {transform_indices = @transform_3, window_bounds = array<i64: 1, 16, 128>}, {transform_indices = @transform_4, window_bounds = array<i64: 1, 1, 128>}, {transform_indices = @transform_5, window_bounds = array<i64: 1, 128, 128>}, {transform_indices = @transform_6, window_bounds = array<i64: 1, 1, 128>}, {transform_indices = @transform_7, window_bounds = array<i64: 1000, 128>}]} {
    %get3A = arith.constant 0 : index
    %get3A_0 = arith.constant 0 : index
    %get3A_1 = vector.load %arg1[%get3A, %get3A_0] : memref<1000x128xf32, #tpu.memory_space<vmem>>, vector<1000x128xf32>
    %get3A_2 = arith.constant 0 : index
    %get3A_3 = arith.constant 0 : index
    %get3A_4 = vector.load %arg2[%get3A_2, %get3A_3] : memref<1000x128xf32, #tpu.memory_space<vmem>>, vector<1000x128xf32>
    %add3A = arith.addf %get3A_1, %get3A_4 : vector<1000x128xf32>
    %get3A_5 = arith.constant 0 : index
    %get3A_6 = arith.constant 0 : index
    %get3A_7 = vector.load %arg3[%get3A_5, %get3A_6] : memref<1000x16xf32, #tpu.memory_space<vmem>>, vector<1000x16xf32>
    %get3A_8 = arith.constant 0 : index
    %get3A_9 = arith.constant 0 : index
    %get3A_10 = arith.constant 0 : index
    %get3A_11 = vector.load %arg4[%get3A_8, %get3A_9, %get3A_10] : memref<1x16x128xf32, #tpu.memory_space<vmem>>, vector<1x16x128xf32>
    %get3A_12 = vector.shape_cast %get3A_11 : vector<1x16x128xf32> to vector<16x128xf32>
    %dot_general3A = arith.constant dense<0.000000e+00> : vector<1000x128xf32>
    %dot_general3A_13 = tpu.matmul %get3A_7, %get3A_12, %dot_general3A {dimension_numbers = #tpu.dot_dimension_numbers<[1], [0], [0], [1], [0, 0, 1, 1], [], []>, transpose_lhs_hint = false} : vector<1000x16xf32>, vector<16x128xf32>, vector<1000x128xf32> -> vector<1000x128xf32>
    %add3A_14 = arith.addf %add3A, %dot_general3A_13 : vector<1000x128xf32>
    %get3A_15 = arith.constant 0 : index
    %get3A_16 = arith.constant 0 : index
    %get3A_17 = arith.constant 0 : index
    %get3A_18 = vector.load %arg5[%get3A_15, %get3A_16, %get3A_17] : memref<1x1x128xf32, #tpu.memory_space<vmem>>, vector<1x1x128xf32>
    %get3A_19 = vector.shape_cast %get3A_18 : vector<1x1x128xf32> to vector<1x128xf32>
    %add3A_20 = vector.broadcast %get3A_19 : vector<1x128xf32> to vector<1000x128xf32>
    %add3A_21 = arith.addf %add3A_14, %add3A_20 : vector<1000x128xf32>
    %logistic3A = arith.negf %add3A_21 : vector<1000x128xf32>
    %logistic3A_22 = math.exp %logistic3A : vector<1000x128xf32>
    %logistic3A_23 = arith.constant 1.000000e+00 : f32
    %logistic3A_24 = vector.broadcast %logistic3A_23 : f32 to vector<1000x128xf32>
    %logistic3A_25 = arith.addf %logistic3A_24, %logistic3A_22 : vector<1000x128xf32>
    %logistic3A_26 = arith.divf %logistic3A_24, %logistic3A_25 : vector<1000x128xf32>
    %mul3A = arith.mulf %add3A_21, %logistic3A_26 : vector<1000x128xf32>
    %get3A_27 = arith.constant 0 : index
    %get3A_28 = arith.constant 0 : index
    %get3A_29 = arith.constant 0 : index
    %get3A_30 = vector.load %arg6[%get3A_27, %get3A_28, %get3A_29] : memref<1x128x128xf32, #tpu.memory_space<vmem>>, vector<1x128x128xf32>
    %get3A_31 = vector.shape_cast %get3A_30 : vector<1x128x128xf32> to vector<128x128xf32>
    %dot_general3A_32 = arith.constant dense<0.000000e+00> : vector<1000x128xf32>
    %dot_general3A_33 = tpu.matmul %mul3A, %get3A_31, %dot_general3A_32 {dimension_numbers = #tpu.dot_dimension_numbers<[1], [0], [0], [1], [0, 0, 1, 1], [], []>, transpose_lhs_hint = false} : vector<1000x128xf32>, vector<128x128xf32>, vector<1000x128xf32> -> vector<1000x128xf32>
    %get3A_34 = arith.constant 0 : index
    %get3A_35 = arith.constant 0 : index
    %get3A_36 = arith.constant 0 : index
    %get3A_37 = vector.load %arg7[%get3A_34, %get3A_35, %get3A_36] : memref<1x1x128xf32, #tpu.memory_space<vmem>>, vector<1x1x128xf32>
    %get3A_38 = vector.shape_cast %get3A_37 : vector<1x1x128xf32> to vector<1x128xf32>
    %add3A_39 = vector.broadcast %get3A_38 : vector<1x128xf32> to vector<1000x128xf32>
    %add3A_40 = arith.addf %dot_general3A_33, %add3A_39 : vector<1000x128xf32>
    %logistic3A_41 = arith.negf %add3A_40 : vector<1000x128xf32>
    %logistic3A_42 = math.exp %logistic3A_41 : vector<1000x128xf32>
    %logistic3A_43 = arith.constant 1.000000e+00 : f32
    %logistic3A_44 = vector.broadcast %logistic3A_43 : f32 to vector<1000x128xf32>
    %logistic3A_45 = arith.addf %logistic3A_44, %logistic3A_42 : vector<1000x128xf32>
    %logistic3A_46 = arith.divf %logistic3A_44, %logistic3A_45 : vector<1000x128xf32>
    %mul3A_47 = arith.mulf %add3A_40, %logistic3A_46 : vector<1000x128xf32>
    %logistic3A_48 = arith.negf %mul3A_47 : vector<1000x128xf32>
    %logistic3A_49 = math.exp %logistic3A_48 : vector<1000x128xf32>
    %logistic3A_50 = arith.constant 1.000000e+00 : f32
    %logistic3A_51 = vector.broadcast %logistic3A_50 : f32 to vector<1000x128xf32>
    %logistic3A_52 = arith.addf %logistic3A_51, %logistic3A_49 : vector<1000x128xf32>
    %logistic3A_53 = arith.divf %logistic3A_51, %logistic3A_52 : vector<1000x128xf32>
    %mul3A_54 = arith.mulf %mul3A_47, %logistic3A_53 : vector<1000x128xf32>
    %swap3A = arith.constant 0 : index
    %swap3A_55 = arith.constant 0 : index
    %swap3A_56 = vector.load %arg8[%swap3A, %swap3A_55] : memref<1000x128xf32, #tpu.memory_space<vmem>>, vector<1000x128xf32>
    tpu.vector_store %arg8[%swap3A, %swap3A_55], %mul3A_54 {strides = array<i32>} : memref<1000x128xf32, #tpu.memory_space<vmem>>, vector<1000x128xf32>,
    return
  }
  func.func @transform_0(%arg0: i32) -> (i32, i32) {
    %c0_i32 = arith.constant 0 : i32
    %c0_i32_0 = arith.constant 0 : i32
    return %arg0, %c0_i32 : i32, i32
  }
  func.func @transform_1(%arg0: i32) -> (i32, i32) {
    %c0_i32 = arith.constant 0 : i32
    %c0_i32_0 = arith.constant 0 : i32
    return %arg0, %c0_i32 : i32, i32
  }
  func.func @transform_2(%arg0: i32) -> (i32, i32) {
    %c0_i32 = arith.constant 0 : i32
    %c0_i32_0 = arith.constant 0 : i32
    return %arg0, %c0_i32 : i32, i32
  }
  func.func @transform_3(%arg0: i32) -> (i32, i32, i32) {
    %jit3A = arith.constant 320 : i32
    %div3A = arith.divsi %arg0, %jit3A : i32
    %sign3A = arith.constant 0 : i32
    %sign3A_0 = arith.cmpi sgt, %arg0, %sign3A : i32
    %sign3A_1 = arith.extui %sign3A_0 : i1 to i32
    %sign3A_2 = arith.constant 0 : i32
    %sign3A_3 = arith.cmpi slt, %arg0, %sign3A_2 : i32
    %sign3A_4 = arith.extui %sign3A_3 : i1 to i32
    %sign3A_5 = arith.subi %sign3A_1, %sign3A_4 : i32
    %sign3A_6 = arith.constant 0 : i32
    %sign3A_7 = arith.cmpi sgt, %jit3A, %sign3A_6 : i32
    %sign3A_8 = arith.extui %sign3A_7 : i1 to i32
    %sign3A_9 = arith.constant 0 : i32
    %sign3A_10 = arith.cmpi slt, %jit3A, %sign3A_9 : i32
    %sign3A_11 = arith.extui %sign3A_10 : i1 to i32
    %sign3A_12 = arith.subi %sign3A_8, %sign3A_11 : i32
    %ne3A = arith.cmpi ne, %sign3A_5, %sign3A_12 : i32
    %rem3A = arith.remsi %arg0, %jit3A : i32
    %ne3A_13 = arith.constant 0 : i32
    %ne3A_14 = arith.cmpi ne, %rem3A, %ne3A_13 : i32
    %and3A = arith.andi %ne3A, %ne3A_14 : i1
    %sub3A = arith.constant 1 : i32
    %sub3A_15 = arith.subi %div3A, %sub3A : i32
    %select_n3A = arith.select %and3A, %sub3A_15, %div3A : i32
    %c0_i32 = arith.constant 0 : i32
    %c0_i32_16 = arith.constant 0 : i32
    %c0_i32_17 = arith.constant 0 : i32
    return %select_n3A, %c0_i32, %c0_i32_16 : i32, i32, i32
  }
  func.func @transform_4(%arg0: i32) -> (i32, i32, i32) {
    %jit3A = arith.constant 320 : i32
    %div3A = arith.divsi %arg0, %jit3A : i32
    %sign3A = arith.constant 0 : i32
    %sign3A_0 = arith.cmpi sgt, %arg0, %sign3A : i32
    %sign3A_1 = arith.extui %sign3A_0 : i1 to i32
    %sign3A_2 = arith.constant 0 : i32
    %sign3A_3 = arith.cmpi slt, %arg0, %sign3A_2 : i32
    %sign3A_4 = arith.extui %sign3A_3 : i1 to i32
    %sign3A_5 = arith.subi %sign3A_1, %sign3A_4 : i32
    %sign3A_6 = arith.constant 0 : i32
    %sign3A_7 = arith.cmpi sgt, %jit3A, %sign3A_6 : i32
    %sign3A_8 = arith.extui %sign3A_7 : i1 to i32
    %sign3A_9 = arith.constant 0 : i32
    %sign3A_10 = arith.cmpi slt, %jit3A, %sign3A_9 : i32
    %sign3A_11 = arith.extui %sign3A_10 : i1 to i32
    %sign3A_12 = arith.subi %sign3A_8, %sign3A_11 : i32
    %ne3A = arith.cmpi ne, %sign3A_5, %sign3A_12 : i32
    %rem3A = arith.remsi %arg0, %jit3A : i32
    %ne3A_13 = arith.constant 0 : i32
    %ne3A_14 = arith.cmpi ne, %rem3A, %ne3A_13 : i32
    %and3A = arith.andi %ne3A, %ne3A_14 : i1
    %sub3A = arith.constant 1 : i32
    %sub3A_15 = arith.subi %div3A, %sub3A : i32
    %select_n3A = arith.select %and3A, %sub3A_15, %div3A : i32
    %c0_i32 = arith.constant 0 : i32
    %c0_i32_16 = arith.constant 0 : i32
    %c0_i32_17 = arith.constant 0 : i32
    return %select_n3A, %c0_i32, %c0_i32_16 : i32, i32, i32
  }
  func.func @transform_5(%arg0: i32) -> (i32, i32, i32) {
    %jit3A = arith.constant 320 : i32
    %div3A = arith.divsi %arg0, %jit3A : i32
    %sign3A = arith.constant 0 : i32
    %sign3A_0 = arith.cmpi sgt, %arg0, %sign3A : i32
    %sign3A_1 = arith.extui %sign3A_0 : i1 to i32
    %sign3A_2 = arith.constant 0 : i32
    %sign3A_3 = arith.cmpi slt, %arg0, %sign3A_2 : i32
    %sign3A_4 = arith.extui %sign3A_3 : i1 to i32
    %sign3A_5 = arith.subi %sign3A_1, %sign3A_4 : i32
    %sign3A_6 = arith.constant 0 : i32
    %sign3A_7 = arith.cmpi sgt, %jit3A, %sign3A_6 : i32
    %sign3A_8 = arith.extui %sign3A_7 : i1 to i32
    %sign3A_9 = arith.constant 0 : i32
    %sign3A_10 = arith.cmpi slt, %jit3A, %sign3A_9 : i32
    %sign3A_11 = arith.extui %sign3A_10 : i1 to i32
    %sign3A_12 = arith.subi %sign3A_8, %sign3A_11 : i32
    %ne3A = arith.cmpi ne, %sign3A_5, %sign3A_12 : i32
    %rem3A = arith.remsi %arg0, %jit3A : i32
    %ne3A_13 = arith.constant 0 : i32
    %ne3A_14 = arith.cmpi ne, %rem3A, %ne3A_13 : i32
    %and3A = arith.andi %ne3A, %ne3A_14 : i1
    %sub3A = arith.constant 1 : i32
    %sub3A_15 = arith.subi %div3A, %sub3A : i32
    %select_n3A = arith.select %and3A, %sub3A_15, %div3A : i32
    %c0_i32 = arith.constant 0 : i32
    %c0_i32_16 = arith.constant 0 : i32
    %c0_i32_17 = arith.constant 0 : i32
    return %select_n3A, %c0_i32, %c0_i32_16 : i32, i32, i32
  }
  func.func @transform_6(%arg0: i32) -> (i32, i32, i32) {
    %jit3A = arith.constant 320 : i32
    %div3A = arith.divsi %arg0, %jit3A : i32
    %sign3A = arith.constant 0 : i32
    %sign3A_0 = arith.cmpi sgt, %arg0, %sign3A : i32
    %sign3A_1 = arith.extui %sign3A_0 : i1 to i32
    %sign3A_2 = arith.constant 0 : i32
    %sign3A_3 = arith.cmpi slt, %arg0, %sign3A_2 : i32
    %sign3A_4 = arith.extui %sign3A_3 : i1 to i32
    %sign3A_5 = arith.subi %sign3A_1, %sign3A_4 : i32
    %sign3A_6 = arith.constant 0 : i32
    %sign3A_7 = arith.cmpi sgt, %jit3A, %sign3A_6 : i32
    %sign3A_8 = arith.extui %sign3A_7 : i1 to i32
    %sign3A_9 = arith.constant 0 : i32
    %sign3A_10 = arith.cmpi slt, %jit3A, %sign3A_9 : i32
    %sign3A_11 = arith.extui %sign3A_10 : i1 to i32
    %sign3A_12 = arith.subi %sign3A_8, %sign3A_11 : i32
    %ne3A = arith.cmpi ne, %sign3A_5, %sign3A_12 : i32
    %rem3A = arith.remsi %arg0, %jit3A : i32
    %ne3A_13 = arith.constant 0 : i32
    %ne3A_14 = arith.cmpi ne, %rem3A, %ne3A_13 : i32
    %and3A = arith.andi %ne3A, %ne3A_14 : i1
    %sub3A = arith.constant 1 : i32
    %sub3A_15 = arith.subi %div3A, %sub3A : i32
    %select_n3A = arith.select %and3A, %sub3A_15, %div3A : i32
    %c0_i32 = arith.constant 0 : i32
    %c0_i32_16 = arith.constant 0 : i32
    %c0_i32_17 = arith.constant 0 : i32
    return %select_n3A, %c0_i32, %c0_i32_16 : i32, i32, i32
  }
  func.func @transform_7(%arg0: i32) -> (i32, i32) {
    %c0_i32 = arith.constant 0 : i32
    %c0_i32_0 = arith.constant 0 : i32
    return %arg0, %c0_i32 : i32, i32
  }
}

module attributes {stable_mosaic.version = 14 : i64} {
  func.func @_upd_body(%arg0: i32, %arg1: i32, %arg2: memref<1x2000x128xf32, #tpu.memory_space<vmem>>, %arg3: memref<1x128x128xf32, #tpu.memory_space<vmem>>, %arg4: memref<1x1x128xf32, #tpu.memory_space<vmem>>, %arg5: memref<1x2000x128xf32, #tpu.memory_space<vmem>>) attributes {dimension_semantics = [#tpu.dimension_semantics<arbitrary>, #tpu.dimension_semantics<arbitrary>], iteration_bounds = array<i64: 3, 5>, scalar_prefetch = 0 : i64, scratch_operands = 0 : i64, tpu.core_type = #tpu.core_type<tc>, window_params = [{transform_indices = @transform_0, window_bounds = array<i64: 1, 2000, 128>}, {transform_indices = @transform_1, window_bounds = array<i64: 1, 128, 128>}, {transform_indices = @transform_2, window_bounds = array<i64: 1, 1, 128>}, {transform_indices = @transform_3, window_bounds = array<i64: 1, 2000, 128>}]} {
    %get3A = arith.constant 0 : index
    %get3A_0 = arith.constant 0 : index
    %get3A_1 = arith.constant 0 : index
    %get3A_2 = vector.load %arg2[%get3A, %get3A_0, %get3A_1] : memref<1x2000x128xf32, #tpu.memory_space<vmem>>, vector<1x2000x128xf32>
    %get3A_3 = vector.shape_cast %get3A_2 : vector<1x2000x128xf32> to vector<2000x128xf32>
    %get3A_4 = arith.constant 0 : index
    %get3A_5 = arith.constant 0 : index
    %get3A_6 = arith.constant 0 : index
    %get3A_7 = vector.load %arg3[%get3A_4, %get3A_5, %get3A_6] : memref<1x128x128xf32, #tpu.memory_space<vmem>>, vector<1x128x128xf32>
    %get3A_8 = vector.shape_cast %get3A_7 : vector<1x128x128xf32> to vector<128x128xf32>
    %dot_general3A = arith.constant dense<0.000000e+00> : vector<2000x128xf32>
    %dot_general3A_9 = tpu.matmul %get3A_3, %get3A_8, %dot_general3A {dimension_numbers = #tpu.dot_dimension_numbers<[1], [0], [0], [1], [0, 0, 1, 1], [], []>, transpose_lhs_hint = false} : vector<2000x128xf32>, vector<128x128xf32>, vector<2000x128xf32> -> vector<2000x128xf32>
    %get3A_10 = arith.constant 0 : index
    %get3A_11 = arith.constant 0 : index
    %get3A_12 = arith.constant 0 : index
    %get3A_13 = vector.load %arg4[%get3A_10, %get3A_11, %get3A_12] : memref<1x1x128xf32, #tpu.memory_space<vmem>>, vector<1x1x128xf32>
    %get3A_14 = vector.shape_cast %get3A_13 : vector<1x1x128xf32> to vector<1x128xf32>
    %add3A = vector.broadcast %get3A_14 : vector<1x128xf32> to vector<2000x128xf32>
    %add3A_15 = arith.addf %dot_general3A_9, %add3A : vector<2000x128xf32>
    %eq3A = arith.constant 2 : i32
    %eq3A_16 = arith.cmpi eq, %arg0, %eq3A : i32
    %logistic3A = arith.negf %add3A_15 : vector<2000x128xf32>
    %logistic3A_17 = math.exp %logistic3A : vector<2000x128xf32>
    %logistic3A_18 = arith.constant 1.000000e+00 : f32
    %logistic3A_19 = vector.broadcast %logistic3A_18 : f32 to vector<2000x128xf32>
    %logistic3A_20 = arith.addf %logistic3A_19, %logistic3A_17 : vector<2000x128xf32>
    %logistic3A_21 = arith.divf %logistic3A_19, %logistic3A_20 : vector<2000x128xf32>
    %mul3A = arith.mulf %add3A_15, %logistic3A_21 : vector<2000x128xf32>
    %select_n3A = arith.select %eq3A_16, %mul3A, %add3A_15 : vector<2000x128xf32>
    %swap3A = arith.constant 0 : index
    %swap3A_22 = arith.constant 0 : index
    %swap3A_23 = arith.constant 0 : index
    %swap3A_24 = vector.load %arg5[%swap3A, %swap3A_22, %swap3A_23] : memref<1x2000x128xf32, #tpu.memory_space<vmem>>, vector<1x2000x128xf32>
    %swap3A_25 = vector.shape_cast %swap3A_24 : vector<1x2000x128xf32> to vector<2000x128xf32>
    %swap3A_26 = vector.shape_cast %select_n3A : vector<2000x128xf32> to vector<1x2000x128xf32>
    tpu.vector_store %arg5[%swap3A, %swap3A_22, %swap3A_23], %swap3A_26 {strides = array<i32>} : memref<1x2000x128xf32, #tpu.memory_space<vmem>>, vector<1x2000x128xf32>,
    return
  }
  func.func @transform_0(%arg0: i32, %arg1: i32) -> (i32, i32, i32) {
    %c0_i32 = arith.constant 0 : i32
    %c0_i32_0 = arith.constant 0 : i32
    return %arg0, %arg1, %c0_i32 : i32, i32, i32
  }
  func.func @transform_1(%arg0: i32, %arg1: i32) -> (i32, i32, i32) {
    %c0_i32 = arith.constant 0 : i32
    %c0_i32_0 = arith.constant 0 : i32
    %c0_i32_1 = arith.constant 0 : i32
    return %arg0, %c0_i32, %c0_i32_0 : i32, i32, i32
  }
  func.func @transform_2(%arg0: i32, %arg1: i32) -> (i32, i32, i32) {
    %c0_i32 = arith.constant 0 : i32
    %c0_i32_0 = arith.constant 0 : i32
    %c0_i32_1 = arith.constant 0 : i32
    return %arg0, %c0_i32, %c0_i32_0 : i32, i32, i32
  }
  func.func @transform_3(%arg0: i32, %arg1: i32) -> (i32, i32, i32) {
    %c0_i32 = arith.constant 0 : i32
    %c0_i32_0 = arith.constant 0 : i32
    return %arg0, %arg1, %c0_i32 : i32, i32, i32
  }
}

</mosaic_0001>

<sc_bundles>
// kernel: kernel.10.cloned.1.call-start
scs
__scs_entry_jumppad:
0x0: {  	(pc) =	sbr.rel $0x88, $3  }
0x1: {  	(tag) =	ssettag $0x0;
	lr =	simm.s32 $0x1  }
0x2: {  	[smem:$0x3F8C] =	sst lr;
	_ =	strace $0xD0000000  }
0x3: {  	_ = 	snop  }
0x4: {  	_ = 	snop  }
0x5: {  	_ = 	snop  }
0x6: {  	_ = 	snop  }
0x7: {  	_ = 	snop  }
__scs_overlays_trampoline_lowered:
0x8: {  	[smem:$0x3F9B] =	sst s0  }
0x9: {  	[smem:$0x3F9C] =	sst s1  }
0xa: {  	[smem:$0x3F9D] =	sst s2  }
0xb: {  	[smem:$0x3F9E] =	sst s3  }
0xc: {  	[smem:$0x3F9F] =	sst s4  }
0xd: {  	[smem:$0x3FA0] =	sst s5  }
0xe: {  	[smem:$0x3FA1] =	sst s6  }
0xf: {  	[smem:$0x3FA2] =	sst s7  }
0x10: {  	[smem:$0x3FA3] =	sst s8  }
0x11: {  	[smem:$0x3FA4] =	sst s9;
	s0 =	simm.s32 @!p0 $0x0  }
0x12: {  	s1 =	sld [smem:$0x3F8A];
	s0 =	simm.s32 @p0 $0x1  }
0x13: {  	[smem:$0x3FA5] =	sst s0;
	s0 =	simm.s32 @!p1 $0x0  }
0x14: {  	s2 =	sld [smem:$0x3F89];
	s0 =	simm.s32 @p1 $0x1  }
0x15: {  	[smem:$0x3FA6] =	sst s0;
	s0 =	simm.s32 @!p2 $0x0  }
0x16: {  	s3 =	sld [smem:$0x3FDB];
	s0 =	simm.s32 @p2 $0x1  }
0x17: {  	s4 =	simm.s32 $0x1BF5;
	[smem:$0x3FA8] =	sst s0  }
0x18: {  	s0 =	sld [smem:$0x3F8B];
	_ =	swait.ge [sflag:s4], $0x0  }
0x19: {  	s7 =	sld [smem:$0x3F8C]  }
0x1a: {  	s8 =	sadd.s32 $0xFFFFE003, lr  }
0x1b: {  	s9 =	sadd.s32 $0xFFFFFEF7, lr;
	s5 =	simm.s32 $0xFFFFFFFF;
	p2 =	slt.u32 s8, $0xFFFFF086  }
0x1c: {  	p1 =	slt.u32 s9, $0xF7A;
	s5 =	simm.s32 @!p2 $0x0  }
0x1d: {  	s5 =	simm.s32 @p1 $0x1;
	p0 =	seq.s32 s7, s2  }
0x1e: {  	s7 =	smul.u32 @!p0 $0xF7A, s2;
	p2 =	seq.s32 @!p0 s5, $0x0  }
0x1f: {  	s9 =	smul.u32 $0xF7A, s1;
	s8 =	simm.s32 @!p0 $0x1BF5;
	p2 =	por !p2, p0  }
0x20: {  	[sflag:s8] =	ssyncset.s32 @!p0 $0xFFFFF086;
	s6 =	sadd.s32 @!p0 s3, s7;
	s7 =	simm.s32 @!p0 $0x108  }
0x21: {  	s3 =	sadd.s32 s3, s9;
	s6 =	sadd.s32 @!p0 $0x88, s6;
	s7 =	simm.s32 @p2 $0x1082  }
0x22: {  	[simem:s7], [sflag:s8] =	dma.local @!p0 [hbm:s6], $0xF7A  }
0x23: {  	s9 =	sor.u32 $0xD0000000, s2;
	s6 =	simm.s32 $0x108;
	_ =	swait.ge @!p0 [sflag:s8], $0x0  }
0x24: {  	s3 =	sadd.s32 $0x88, s3;
	s6 =	simm.s32 @!p1 $0x1082;
	[sflag:s4] =	ssyncset.s32 $0xFFFFF086  }
0x25: {  	[simem:s6], [sflag:s4] =	dma.local [hbm:s3], $0xF7A  }
0x26: {  	[smem:$0x3F8C] =	sst s1;
	(tag) =	ssettag s2;
	_ =	strace s9  }
0x27: {  	s1 =	sld [smem:$0x3F9C]  }
0x28: {  	s2 =	sld [smem:$0x3F9D]  }
0x29: {  	s4 =	sld [smem:$0x3F9F]  }
0x2a: {  	p0 =	seq.s32 s5, $0x0;
	s5 =	sld [smem:$0x3FA0]  }
0x2b: {  	s6 =	sld [smem:$0x3FA1]  }
0x2c: {  	s7 =	sld [smem:$0x3FA2]  }
0x2d: {  	s3 =	simm.s32 $0x108;
	s8 =	sld [smem:$0x3FA3]  }
0x2e: {  	s3 =	simm.s32 @!p0 $0x1082;
	s9 =	sld [smem:$0x3FA4]  }
0x2f: {  	lr =	sadd.s32 s0, s3;
	s0 =	sld [smem:$0x3F9B]  }
0x30: {  	s3 =	sld [smem:$0x3F9E]  }
0x31: {  	[smem:$0x3FA7] =	sst s10  }
0x32: {  	s10 =	sld [smem:$0x3FA5];
	_ =	sdelay $0x3  }
0x33: {  	p0 =	seq.s32 s10, $0x1;
	s10 =	sld [smem:$0x3FA7];
	_ =	sdelay $0x3  }
0x34: {  	[smem:$0x3FA7] =	sst s10  }
0x35: {  	s10 =	sld [smem:$0x3FA6];
	_ =	sdelay $0x3  }
0x36: {  	p1 =	seq.s32 s10, $0x1;
	s10 =	sld [smem:$0x3FA7];
	_ =	sdelay $0x3  }
0x37: {  	[smem:$0x3FA7] =	sst s10  }
0x38: {  	s10 =	sld [smem:$0x3FA8]  }
0x39: {  	_ = 	snop;
	(pc) =	sbr.ind lr, $3  }
0x3a: {  	_ = 	snop  }
0x3b: {  	_ = 	snop  }
0x3c: {  	p2 =	seq.s32 s10, $0x1;
	s10 =	sld [smem:$0x3FA7]  }
0x3d: {  	_ =	shalt  }
0x3e: {  	_ =	shalt  }
0x3f: {  	_ =	shalt  }
0x40: {  	_ =	shalt  }
0x41: {  	_ =	shalt  }
0x42: {  	_ =	shalt  }
0x43: {  	_ =	shalt  }
0x44: {  	_ =	shalt  }
0x45: {  	_ =	shalt  }
0x46: {  	_ =	shalt  }
0x47: {  	_ =	shalt  }
0x48: {  	_ =	shalt  }
0x49: {  	_ =	shalt  }
0x4a: {  	_ =	shalt  }
0x4b: {  	_ =	shalt  }
0x4c: {  	_ =	shalt  }
0x4d: {  	_ =	shalt  }
0x4e: {  	_ =	shalt  }
0x4f: {  	_ =	shalt  }
0x50: {  	_ =	shalt  }
0x51: {  	_ =	shalt  }
0x52: {  	_ =	shalt  }
0x53: {  	_ =	shalt  }
0x54: {  	_ =	shalt  }
0x55: {  	_ =	shalt  }
0x56: {  	_ =	shalt  }
0x57: {  	_ =	shalt  }
0x58: {  	_ =	shalt  }
0x59: {  	_ =	shalt  }
0x5a: {  	_ =	shalt  }
0x5b: {  	_ =	shalt  }
0x5c: {  	_ =	shalt  }
0x5d: {  	_ =	shalt  }
0x5e: {  	_ =	shalt  }
0x5f: {  	_ =	shalt  }
0x60: {  	_ =	shalt  }
0x61: {  	_ =	shalt  }
0x62: {  	_ =	shalt  }
0x63: {  	_ =	shalt  }
0x64: {  	_ =	shalt  }
0x65: {  	_ =	shalt  }
0x66: {  	_ =	shalt  }
0x67: {  	_ =	shalt  }
0x68: {  	_ =	shalt  }
0x69: {  	_ =	shalt  }
0x6a: {  	_ =	shalt  }
0x6b: {  	_ =	shalt  }
0x6c: {  	_ =	shalt  }
0x6d: {  	_ =	shalt  }
0x6e: {  	_ =	shalt  }
0x6f: {  	_ =	shalt  }
0x70: {  	_ =	shalt  }
0x71: {  	_ =	shalt  }
0x72: {  	_ =	shalt  }
0x73: {  	_ =	shalt  }
0x74: {  	_ =	shalt  }
0x75: {  	_ =	shalt  }
0x76: {  	_ =	shalt  }
0x77: {  	_ =	shalt  }
0x78: {  	_ =	shalt  }
0x79: {  	_ =	shalt  }
0x7a: {  	_ =	shalt  }
0x7b: {  	_ =	shalt  }
0x7c: {  	_ =	shalt  }
0x7d: {  	_ =	shalt  }
0x7e: {  	_ =	shalt  }
0x7f: {  	_ =	shalt  }
0x80: {  	_ =	shalt  }
0x81: {  	_ =	shalt  }
0x82: {  	_ =	shalt  }
0x83: {  	_ =	shalt  }
0x84: {  	_ =	shalt  }
0x85: {  	_ =	shalt  }
0x86: {  	_ =	shalt  }
0x87: {  	_ =	shalt  }
.Lfunc_end0:
.L_simem_size_0:
called_computation.1_lowered:
.L_overlay_start_0:
0x88: {  	s2 =	sld [smem:$0x3FD9]  }
0x89: {  	s3 =	sld [smem:$0x3FFE];
	_ =	sdelay $0x1  }
0x8a: {  	s1 =	srdreg.scid  }
0x8b: {  	s0 =	sand.u32 $0x1, s1  }
0x8c: {  	s14 =	sshll.u32 s0, $0xA;
	s2 =	sadd.s32 s3, s2  }
0x8d: {  	s2 =	sadd.s32 s2, s14  }
0x8e: {  	[smem:$0x3FB3] =	sst s2  }
0x8f: {  	_ = 	snop  }
0x90: {  	s2 =	sld [smem:$0x3FD0];
	_ =	sdelay $0x2  }
0x91: {  	s15 =	simm.s32 $0xA;
	s4 =	simm.s32 $0x10  }
0x92: {  	[smem:s4], [sflag:s15] =	dma.local [hbm:s2], $0x1  }
0x93: {  	_ =	swait.eq [sflag:s15], $0x1  }
0x94: {  	[sflag:s15] =	ssyncset.done $0x0  }
0x95: {  	s16 =	sld [smem:$0x10];
	[sflag:s15] =	ssyncadd.s32 $0xFFFFFFFF  }
0x96: {  	s17 =	sld [smem:$0x12];
	(tm) =	ssettm $0x1  }
0x97: {  	s18 =	sld [smem:$0x3FFB];
	_ =	sdelay $0x3  }
0x98: {  	_ =	strace s18  }
0x99: {  	s4 =	sld [smem:$0x3FFC];
	_ =	sdelay $0x3  }
0x9a: {  	_ =	strace s4  }
0x9b: {  	s4 =	sld [smem:$0x3FFD];
	_ =	sdelay $0x3  }
0x9c: {  	_ =	strace s4  }
0x9d: {  	_ =	strace $0x8FFFFFFF  }
0x9e: {  	s19 =	sld [smem:$0x3FDB];
	_ =	sdelay $0x1  }
0x9f: {  	s5 =	simm.s32 $_scs_section_size  }
0xa0: {  	s6 =	simm.s32 $_size__tile_overlayer_lowered;
	s7 =	simm.s32 $_tile_overlayer_lowered  }
0xa1: {  	s22 =	simm.s32 $0x1BFF;
	s21 =	sshll.u32 s7, $0x1;
	s4 =	sadd.s32 s5, s19  }
0xa2: {  	s8 =	simm.s32 $0x0;
	s20 =	sshll.u32 s6, $0x1;
	s6 =	sadd.s32 s21, s4  }
0xa3: {  	[timem:s8], [sflag:s22] =	dma.local [hbm:s6], s20  }
0xa4: {  	_ =	swait.ge [sflag:s22], s20  }
0xa5: {  	s5 =	ssub.s32 $0x0, s20;
	[sflag:s22] =	ssyncset.done $0x0  }
0xa6: {  	[sflag:s22] =	ssyncadd.s32 s5;
	_ =	sdelay $0x1  }
0xa7: {  	s23 =	simm.s32 $0x1B8B  }
0xa8: {  	_ =	swait.ge [sflag:s23], $0x1  }
0xa9: {  	[sflag:s23] =	ssyncset.done $0x0  }
0xaa: {  	s25 =	simm.s32 $0x1B8E;
	s24 =	sld [smem:$0x3FFE];
	[sflag:s23] =	ssyncadd.s32 $0xFFFFFFFF  }
0xab: {  	s26 =	simm.s32 $execute0_lowered;
	[smem:$0x3FD2] =	sst s25  }
0xac: {  	s6 =	sshll.u32 s26, $0x1;
	_ =	strace $0x80000049;
	[dreg:$0x1] =	wrdreg $0xFFFFFFFF  }
0xad: {  	s28 =	simm.s32 $_size_execute0_lowered;
	s4 =	sadd.s32 s4, s6;
	[dreg:$0x0] =	wrdreg $0x0  }
0xae: {  	s6 =	sshll.u32 s28, $0x1;
	[dreg:$0x2] =	wrdreg s4  }
0xaf: {  	[dreg:$0x3] =	wrdreg s6  }
0xb0: {  	[dreg:$0x4] =	wrdreg $0xC0  }
0xb1: {  	_ =	task [dreg:s8], $0x5FFFF  }
0xb2: {  	[dreg:$0x1] =	wrdreg $0xFFFFFFFF  }
0xb3: {  	[dreg:$0x0] =	wrdreg $0x60  }
0xb4: {  	[dreg:$0x2] =	wrdreg s24  }
0xb5: {  	[dreg:$0x3] =	wrdreg s17  }
0xb6: {  	[dreg:$0x4] =	wrdreg s16  }
0xb7: {  	[dreg:$0x5] =	wrdreg $0x51000  }
0xb8: {  	[dreg:$0x6] =	wrdreg $0x9  }
0xb9: {  	_ =	task.clear_ibuf [dreg:s8], $0x7FFFF;
	_ =	strace $0x90000049  }
0xba: {  	s29 =	simm.s32 $0x9;
	_ =	strace $0x8000004B  }
0xbb: {  	_ =	swait.ge [sflag:s29], $0x1  }
0xbc: {  	[sflag:s29] =	ssyncadd.s32 $0xFFFFFFFF  }
0xbd: {  	_ =	strace $0x9000004B  }
0xbe: {  	_ =	sfence  }
0xbf: {  	s30 =	sld [smem:$0x0];
	_ =	sdelay $0x2  }
0xc0: {  	s31 =	sshll.u32 s1, $0xD;
	s1 =	sshrl.u32 s1, $0x2  }
0xc1: {  	s3 =	sand.u32 $0x4000, s31;
	s1 =	sadd.s32 s1, s30  }
0xc2: {  	s0 =	sor.u32 s3, s0;
	s1 =	sshll.u32 s1, $0x11  }
0xc3: {  	s0 =	sor.u32 s1, s0  }
0xc4: {  	s0 =	sadd.s32 $0x8F2B, s0  }
0xc5: {  	[sflag:s0] =	ssyncadd.remote.s32 $0x1  }
0xc6: {  	_ =	sfence.sel $0xFFFF  }
0xc7: {  	[dreg:$0x0] =	wrdreg $0xFFFFFFFF;
	(pc) =	sbr.abs _section_cstart, $3  }
0xc8: {  	[dreg:$0x1] =	wrdreg $0xFFFFFFFF  }
0xc9: {  	_ =	task.clear_ibuf [dreg:s8], $0x2FFFF;
	_ =	strace $0x9FFFFFFF  }
0xca: {  	(tm) =	ssettm $0x7FFFFFFF  }
0xcb: {  	_ =	shalt  }
tec
execute0_lowered:
.L_overlay_start_1:
0x0: {  	(tag) =	ssettag $0x1  }
0x1: {  	s0 =	rddreg [dreg:$0x0]  }
0x2: {  	s1 =	rddreg [dreg:$0x1]  }
0x3: {  	s4 =	rddreg [dreg:$0x2]  }
0x4: {  	s2 =	rddreg [dreg:$0x3];
	s17 =	stileid.u32  }
0x5: {  	s5 =	srdreg.scid;
	s3 =	simm.s32 $0x0;
	s9 =	smul.u32 $0x4E20, s17  }
0x6: {  	s19 =	simm.s32 $0x100;
	s28 =	simm.s32 $0x4;
	s10 =	smul.u32 $0x4F000, s17  }
0x7: {  	s29 =	simm.s32 $0x0;
	s6 =	sand.u32 $0x1, s5;
	s21 =	smul.u32 $0x2780, s17  }
0x8: {  	[smem:$0x7FF] =	sst s3;
	s14 =	sadd.s32 $0x1F24E00, s0;
	s30 =	smul.u32 $0x4E200, s17  }
0x9: {  	s24 =	sshll.u32 s17, $0xF;
	s16 =	sadd.s32 $0x128400, s2;
	s5 =	smul.u32 $0x27100, s6  }
0xa: {  	p0 =	seq.s32 s17, $0xF;
	_ =	strace $0x8000004A;
	s7 =	smul.u32 $0x4E200, s6  }
0xb: {  	s8 =	ssub.s32 $0x2, s6;
	s23 =	sshll.u32 s6, $0x13;
	s6 =	smul.u32 $0x4E2000, s6  }
0xc: {  	s16 =	sshrl.u32 @p0 s16, $0x3;
	s20 =	sshrl.u32 s8, $0x1;
	s22 =	sshrl.u32 s10, $0x2  }
0xd: {  	[dreg:$0x5] =	wrdreg s21;
	s0 =	sadd.s32 s5, s0;
	s15 =	ssub.s32 s8, s20  }
0xe: {  	s11 =	sadd.s32 s9, s7;
	s18 =	sadd.s32 s22, s2;
	s5 =	sadd.s32 s4, s21  }
0xf: {  	s7 =	sor.u32 s24, s23;
	s8 =	sadd.s32 $0x25080, s4;
	s31 =	sadd.s32 s6, s14  }
0x10: {  	s20 =	simm.s32 $0x80;
	s21 =	simm.s32 $0x2900;
	s22 =	simm.s32 $0x1  }
0x11: {  	s23 =	simm.s32 $0x3;
	s24 =	simm.s32 $0x50;
	[dreg:$0x6] =	wrdreg s5  }
0x12: {  	s25 =	sshrl.u32 s7, $0x3;
	s26 =	sshll.u32 s11, $0x4;
	s13 =	sadd.s32 $0x4200, s0  }
0x13: {  	s0 =	sadd.s32 s30, s31;
	s18 =	sshrl.u32 @!p0 s18, $0x3;
	s9 =	sadd.s32 s1, s25  }
0x14: {  	s10 =	sadd.s32 s14, s26;
	s14 =	smax.u32 s15, $0x1;
	s15 =	sadd.s32 $0xA00, s0  }
0x15: {  	s0 =	sshll.u32 @!p0 s17, $0x6;
	s25 =	simm.s32 $0x5;
	s26 =	simm.s32 $0x2  }
0x16: {  	s11 =	sadd.s32 $0x10, s9;
	s12 =	sadd.s32 $0x500, s10;
	s17 =	sor.u32 @!p0 $0x1C05, s0  }
.LBB2_1:
0x17: {  	s0 =	simm.s32 @p0 $0x1FC5  }
0x18: {  	[spmem:s16], [sflag:s0] =	dma.local @p0 [hbm:s8], $0x2080  }
0x19: {  	s0 =	simm.s32 @p0 $0x5  }
0x1a: {  	_ =	swait.ge @p0 [sflag:s0], $0x2080  }
0x1b: {  	[sflag:s0] =	ssyncset.done @p0 $0x0  }
0x1c: {  	[sflag:s0] =	ssyncadd.s32 @p0 $0xFFFFDF80;
	s0 =	rddreg [dreg:$0x6]  }
0x1d: {  	[spmem:s18], [sflag:s17] =	dma.local @!p0 [hbm:s0], $0x2780  }
0x1e: {  	s0 =	simm.s32 @!p0 $0x5  }
0x1f: {  	_ =	swait.ge @!p0 [sflag:s0], $0x2780  }
0x20: {  	[sflag:s0] =	ssyncset.done @!p0 $0x0  }
0x21: {  	[sflag:s0] =	ssyncadd.s32 @!p0 $0xFFFFD880  }
0x22: {  	[bflag:$0x0] =	sbarrier.arrive $0xFFFF  }
0x23: {  	[tilespmem:s3], [sflag:$0x1] =	stream.linear.gather [hbm4b:s9+s3], $0x80, $0x38;
	[tilespmem:$0x18980] =	vst v63  }
0x24: {  	_ = 	snop  }
0x25: {  	[tilespmem:s19], [sflag:$0x3] =	stream.linear.gather [hbm4b:s10+s3], $0x2800, $0x38;
	[tilespmem:$0x18980] =	vst v63  }
0x26: {  	_ = 	snop  }
0x27: {  	[tilespmem:s20], [sflag:$0x2] =	stream.linear.gather [hbm4b:s11+s3], $0x80, $0x38;
	[tilespmem:$0x18980] =	vst v63  }
0x28: {  	_ = 	snop  }
0x29: {  	[tilespmem:s21], [sflag:$0x4] =	stream.linear.gather [hbm4b:s12+s3], $0x2800, $0x38;
	[tilespmem:$0x18980] =	vst v63  }
0x2a: {  	_ =	swait.ge [sflag:s22], $0x80  }
0x2b: {  	[sflag:s22] =	ssyncset.done $0x0  }
0x2c: {  	[sflag:s22] =	ssyncadd.s32 $0xFFFFFF80  }
0x2d: {  	s6 =	simm.s32 $0x100;
	_ =	swait.ge [sflag:s23], $0x2800  }
0x2e: {  	s4 =	sand.u32 $0xFC00, s6;
	[sflag:s23] =	ssyncset.done $0x0  }
0x2f: {  	s4 =	sadd.s32 s7, s4;
	s0 =	sand.u32 $0x300, s6;
	[sflag:s23] =	ssyncadd.s32 $0xFFFFD800  }
0x30: {  	[spmem:s2] =	stream.indirect.scatter.add.f32 [tilespmem:s19], [sflag:$0x5], $0x80, s3, s24, $0xb8;
	[tilespmem:$0x18980] =	vst v63  }
0x31: {  	s0 =	sor.u32 s0, s4;
	_ =	swait.ge [sflag:s25], $0x2800  }
0x32: {  	s0 =	sshrl.u32 s0, $0x3;
	[sflag:s25] =	ssyncset.done $0x0  }
0x33: {  	s0 =	sadd.s32 s1, s0;
	[sflag:s25] =	ssyncadd.s32 $0xFFFFD800  }
0x34: {  	[tilespmem:s3], [sflag:$0x1] =	stream.linear.gather [hbm4b:s0+s3], $0x80, $0x38;
	[tilespmem:$0x18980] =	vst v63  }
0x35: {  	_ = 	snop  }
0x36: {  	[tilespmem:s19], [sflag:$0x3] =	stream.linear.gather [hbm4b:s15+s3], $0x2800, $0x38;
	[tilespmem:$0x18980] =	vst v63  }
0x37: {  	_ =	swait.ge [sflag:s26], $0x80  }
0x38: {  	[sflag:s26] =	ssyncset.done $0x0  }
0x39: {  	[sflag:s26] =	ssyncadd.s32 $0xFFFFFF80  }
0x3a: {  	s5 =	simm.s32 $0x180;
	_ =	swait.ge [sflag:s28], $0x2800  }
0x3b: {  	s6 =	sand.u32 $0xFC00, s5;
	[sflag:s28] =	ssyncset.done $0x0  }
0x3c: {  	s4 =	sadd.s32 s7, s6;
	s0 =	sand.u32 $0x380, s5;
	[sflag:s28] =	ssyncadd.s32 $0xFFFFD800  }
0x3d: {  	[spmem:s2] =	stream.indirect.scatter.add.f32 [tilespmem:s21], [sflag:$0x5], $0x80, s20, s24, $0xb8;
	[tilespmem:$0x18980] =	vst v63  }
0x3e: {  	s0 =	sor.u32 s0, s4;
	_ =	swait.ge [sflag:s25], $0x2800  }
0x3f: {  	s0 =	sshrl.u32 s0, $0x3;
	[sflag:s25] =	ssyncset.done $0x0  }
0x40: {  	s0 =	sadd.s32 s1, s0;
	[sflag:s25] =	ssyncadd.s32 $0xFFFFD800  }
0x41: {  	[tilespmem:s20], [sflag:$0x2] =	stream.linear.gather [hbm4b:s0+s3], $0x80, $0x38;
	[tilespmem:$0x18980] =	vst v63  }
0x42: {  	s4 =	sadd.s32 $0x500, s15  }
0x43: {  	[tilespmem:s21], [sflag:$0x4] =	stream.linear.gather [hbm4b:s4+s3], $0x2800, $0x38;
	[tilespmem:$0x18980] =	vst v63  }
0x44: {  	s5 =	simm.s32 $0x200;
	_ =	swait.ge [sflag:s22], $0x80  }
0x45: {  	s30 =	simm.s32 $0x280;
	s6 =	sand.u32 $0xFC00, s5;
	[sflag:s22] =	ssyncset.done $0x0  }
0x46: {  	s0 =	sand.u32 $0x300, s5;
	s4 =	sadd.s32 s7, s6;
	[sflag:s22] =	ssyncadd.s32 $0xFFFFFF80  }
0x47: {  	s31 =	smov.u32 s15;
	s4 =	sor.u32 s0, s4;
	_ =	swait.ge [sflag:s23], $0x2800  }
0x48: {  	s0 =	simm.s32 $0x380;
	s4 =	sshrl.u32 s4, $0x3;
	[sflag:s23] =	ssyncset.done $0x0  }
.LBB2_2:
0x49: {  	[sflag:s23] =	ssyncadd.s32 $0xFFFFD800  }
0x4a: {  	s31 =	sadd.s32 $0xA00, s31;
	s5 =	smov.u32 s0;
	s6 =	sadd.s32 $0x100, s0  }
0x4b: {  	[spmem:s2] =	stream.indirect.scatter.add.f32 [tilespmem:s19], [sflag:$0x5], $0x80, s3, s24, $0xb8;
	[tilespmem:$0x18980] =	vst v63  }
0x4c: {  	p1 =	sne.s32 s0, $0x7C80;
	_ =	swait.ge [sflag:s25], $0x2800  }
0x4d: {  	s0 =	sadd.s32 s1, s4;
	[sflag:s25] =	ssyncset.done $0x0  }
0x4e: {  	[sflag:s25] =	ssyncadd.s32 $0xFFFFD800  }
0x4f: {  	[tilespmem:s3], [sflag:$0x1] =	stream.linear.gather [hbm4b:s0+s3], $0x80, $0x38;
	[tilespmem:$0x18980] =	vst v63  }
0x50: {  	_ = 	snop  }
0x51: {  	[tilespmem:s19], [sflag:$0x3] =	stream.linear.gather [hbm4b:s31+s3], $0x2800, $0x38;
	[tilespmem:$0x18980] =	vst v63  }
0x52: {  	_ =	swait.ge [sflag:s26], $0x80  }
0x53: {  	[sflag:s26] =	ssyncset.done $0x0  }
0x54: {  	[sflag:s26] =	ssyncadd.s32 $0xFFFFFF80  }
0x55: {  	_ =	swait.ge [sflag:s28], $0x2800  }
0x56: {  	s0 =	sand.u32 $0xFC00, s30;
	[sflag:s28] =	ssyncset.done $0x0  }
0x57: {  	s4 =	sand.u32 $0x380, s30;
	s0 =	sadd.s32 s7, s0;
	[sflag:s28] =	ssyncadd.s32 $0xFFFFD800  }
0x58: {  	[spmem:s2] =	stream.indirect.scatter.add.f32 [tilespmem:s21], [sflag:$0x5], $0x80, s20, s24, $0xb8;
	[tilespmem:$0x18980] =	vst v63  }
0x59: {  	s30 =	smov.u32 s5;
	s0 =	sor.u32 s4, s0;
	_ =	swait.ge [sflag:s25], $0x2800  }
0x5a: {  	s0 =	sshrl.u32 s0, $0x3;
	[sflag:s25] =	ssyncset.done $0x0  }
0x5b: {  	s4 =	sadd.s32 $0x500, s31;
	s0 =	sadd.s32 s1, s0;
	[sflag:s25] =	ssyncadd.s32 $0xFFFFD800  }
0x5c: {  	[tilespmem:s20], [sflag:$0x2] =	stream.linear.gather [hbm4b:s0+s3], $0x80, $0x38;
	[tilespmem:$0x18980] =	vst v63  }
0x5d: {  	_ = 	snop  }
0x5e: {  	[tilespmem:s21], [sflag:$0x4] =	stream.linear.gather [hbm4b:s4+s3], $0x2800, $0x38;
	[tilespmem:$0x18980] =	vst v63  }
.Ltmp0:
0x5f: {  	s0 =	sadd.s32 $0xFFFFFF80, s30;
	_ =	swait.ge [sflag:s22], $0x80;
	(pc) =	sbr.rel @p1 .LBB2_2-.Ltmp0, $4  }
0x60: {  	s4 =	sand.u32 $0xFC00, s0;
	[sflag:s22] =	ssyncset.done $0x0  }
0x61: {  	s0 =	sand.u32 $0x300, s0;
	s4 =	sadd.s32 s7, s4;
	[sflag:s22] =	ssyncadd.s32 $0xFFFFFF80  }
0x62: {  	s0 =	sor.u32 s0, s4;
	_ =	swait.ge [sflag:s23], $0x2800  }
0x63: {  	s4 =	sshrl.u32 s0, $0x3;
	s0 =	smov.u32 s6;
	[sflag:s23] =	ssyncset.done $0x0  }
0x64: {  	[sflag:s23] =	ssyncadd.s32 $0xFFFFD800  }
0x65: {  	[spmem:s2] =	stream.indirect.scatter.add.f32 [tilespmem:s19], [sflag:$0x5], $0x80, s3, s24, $0xb8;
	[tilespmem:$0x18980] =	vst v63  }
0x66: {  	_ =	swait.ge [sflag:s25], $0x2800  }
0x67: {  	[sflag:s25] =	ssyncset.done $0x0  }
0x68: {  	s0 =	sadd.s32 s1, s4;
	[sflag:s25] =	ssyncadd.s32 $0xFFFFD800  }
0x69: {  	[tilespmem:s3], [sflag:$0x1] =	stream.linear.gather [hbm4b:s0+s3], $0x80, $0x38;
	[tilespmem:$0x18980] =	vst v63  }
0x6a: {  	s6 =	sadd.s32 $0xA00, s31  }
0x6b: {  	[tilespmem:s19], [sflag:$0x3] =	stream.linear.gather [hbm4b:s6+s3], $0x2800, $0x38;
	[tilespmem:$0x18980] =	vst v63  }
0x6c: {  	_ =	swait.ge [sflag:s26], $0x80  }
0x6d: {  	[sflag:s26] =	ssyncset.done $0x0  }
0x6e: {  	[sflag:s26] =	ssyncadd.s32 $0xFFFFFF80  }
0x6f: {  	_ =	swait.ge [sflag:s28], $0x2800  }
0x70: {  	s31 =	sand.u32 $0xFC00, s30;
	[sflag:s28] =	ssyncset.done $0x0  }
0x71: {  	s5 =	sand.u32 $0x380, s30;
	s4 =	sadd.s32 s7, s31;
	[sflag:s28] =	ssyncadd.s32 $0xFFFFD800  }
0x72: {  	[spmem:s2] =	stream.indirect.scatter.add.f32 [tilespmem:s21], [sflag:$0x5], $0x80, s20, s24, $0xb8;
	[tilespmem:$0x18980] =	vst v63  }
0x73: {  	s4 =	sor.u32 s5, s4;
	_ =	swait.ge [sflag:s25], $0x2800  }
0x74: {  	s4 =	sshrl.u32 s4, $0x3;
	[sflag:s25] =	ssyncset.done $0x0  }
0x75: {  	s4 =	sadd.s32 s1, s4;
	[sflag:s25] =	ssyncadd.s32 $0xFFFFD800  }
0x76: {  	[tilespmem:s20], [sflag:$0x2] =	stream.linear.gather [hbm4b:s4+s3], $0x80, $0x38;
	[tilespmem:$0x18980] =	vst v63  }
0x77: {  	s0 =	sadd.s32 $0x500, s6  }
0x78: {  	[tilespmem:s21], [sflag:$0x4] =	stream.linear.gather [hbm4b:s0+s3], $0x2800, $0x38;
	[tilespmem:$0x18980] =	vst v63  }
0x79: {  	_ =	swait.ge [sflag:s22], $0x80  }
0x7a: {  	[sflag:s22] =	ssyncset.done $0x0  }
0x7b: {  	[sflag:s22] =	ssyncadd.s32 $0xFFFFFF80  }
0x7c: {  	_ =	swait.ge [sflag:s23], $0x2800  }
0x7d: {  	[sflag:s23] =	ssyncset.done $0x0  }
0x7e: {  	[sflag:s23] =	ssyncadd.s32 $0xFFFFD800  }
0x7f: {  	[spmem:s2] =	stream.indirect.scatter.add.f32 [tilespmem:s19], [sflag:$0x5], $0x80, s3, s24, $0xb8;
	[tilespmem:$0x18980] =	vst v63  }
0x80: {  	_ =	swait.ge [sflag:s25], $0x2800  }
0x81: {  	[sflag:s25] =	ssyncset.done $0x0  }
0x82: {  	[sflag:s25] =	ssyncadd.s32 $0xFFFFD800  }
0x83: {  	_ =	swait.ge [sflag:s26], $0x80  }
0x84: {  	[sflag:s26] =	ssyncset.done $0x0  }
0x85: {  	[sflag:s26] =	ssyncadd.s32 $0xFFFFFF80  }
0x86: {  	_ =	swait.ge [sflag:s28], $0x2800  }
0x87: {  	[sflag:s28] =	ssyncset.done $0x0  }
0x88: {  	[sflag:s28] =	ssyncadd.s32 $0xFFFFD800  }
0x89: {  	[spmem:s2] =	stream.indirect.scatter.add.f32 [tilespmem:s21], [sflag:$0x5], $0x80, s20, s24, $0xb8;
	[tilespmem:$0x18980] =	vst v63  }
0x8a: {  	_ =	swait.ge [sflag:s25], $0x2800  }
0x8b: {  	[sflag:s25] =	ssyncset.done $0x0  }
0x8c: {  	[sflag:s25] =	ssyncadd.s32 $0xFFFFD800  }
0x8d: {  	s4 =	simm.s32 @p0 $0x1FC5;
	s0 =	sadd.s32 @p0 $0x25080, s13;
	[bflag:$0x0] =	sbarrier.arrive $0xFFFF  }
0x8e: {  	[hbm:s0], [sflag:s4] =	dma.local @p0 [spmem:s16], $0x2080  }
0x8f: {  	s0 =	simm.s32 @p0 $0x5  }
0x90: {  	_ =	swait.ge @p0 [sflag:s0], $0x2080  }
0x91: {  	[sflag:s0] =	ssyncset.done @p0 $0x0  }
0x92: {  	s29 =	sadd.s32 $0x1, s29;
	[sflag:s0] =	ssyncadd.s32 @p0 $0xFFFFDF80;
	s0 =	rddreg [dreg:$0x5]  }
0x93: {  	p1 =	sne.s32 s29, s14;
	s0 =	sadd.s32 @!p0 s0, s13  }
0x94: {  	[hbm:s0], [sflag:s17] =	dma.local @!p0 [spmem:s18], $0x2780  }
.Ltmp1:
0x95: {  	_ = 	snop;
	(pc) =	sbr.rel @p1 .LBB2_1-.Ltmp1, $4  }
0x96: {  	s0 =	simm.s32 @!p0 $0x5  }
0x97: {  	_ =	swait.ge @!p0 [sflag:s0], $0x2780  }
0x98: {  	[sflag:s0] =	ssyncset.done @!p0 $0x0  }
0x99: {  	[sflag:s0] =	ssyncadd.s32 @!p0 $0xFFFFD880  }
0x9a: {  	_ =	sfence.sel $0x180000  }
0x9b: {  	[bflag:$0x0] =	sbarrier.arrive $0xFFFF  }
0x9c: {  	_ =	strace $0x9000004A  }
0x9d: {  	s0 =	stileid.u32;
	[bflag:$0x2] =	sbarrier.arrive $0xFFFF  }
0x9e: {  	p0 =	sne.s32 s0, $0x0;
	s0 =	rddreg [dreg:$0x4]  }
0x9f: {  	s0 =	sadd.s32 @!p0 $0x100000, s0  }
0xa0: {  	[sflag:s0] =	ssyncadd.tile.s32 @!p0 $0x1;
	_ =	shalt  }
.Lfunc_end2:
_tile_overlayer_lowered:
.L_overlay_start_2:
0xa1: {  	(tag) =	ssettag $0x2  }
0xa2: {  	s0 =	rddreg [dreg:$0x0];
	s2 =	stileid.u32  }
0xa3: {  	s1 =	rddreg [dreg:$0x1];
	p0 =	sne.s32 s2, $0x0  }
0xa4: {  	s3 =	rddreg [dreg:$0x2];
	[bflag:$0x3] =	sbarrier.arrive $0xFFFF;
	s2 =	simm.s32 @!p0 $0x1C05  }
0xa5: {  	[timem:s3], [sflag:s2] =	dma.local @!p0 [hbm:s0], s1  }
0xa6: {  	s0 =	simm.s32 @!p0 $0x5  }
0xa7: {  	_ =	swait.ge @!p0 [sflag:s0], s1  }
0xa8: {  	s1 =	ssub.s32 @!p0 $0x0, s1;
	[sflag:s0] =	ssyncset.done @!p0 $0x0  }
0xa9: {  	[sflag:s0] =	ssyncadd.s32 @!p0 s1  }
0xaa: {  	[bflag:$0x3] =	sbarrier.arrive $0xFFFF  }
0xab: {  	_ =	shalt  }

// kernel: kernel.7.cloned.1.call-start
scs
__scs_entry_jumppad:
0x0: {  	(pc) =	sbr.rel $0x88, $3  }
0x1: {  	(tag) =	ssettag $0x0;
	lr =	simm.s32 $0x1  }
0x2: {  	[smem:$0x3F8C] =	sst lr;
	_ =	strace $0xD0000000  }
0x3: {  	_ = 	snop  }
0x4: {  	_ = 	snop  }
0x5: {  	_ = 	snop  }
0x6: {  	_ = 	snop  }
0x7: {  	_ = 	snop  }
__scs_overlays_trampoline_lowered:
0x8: {  	[smem:$0x3F9B] =	sst s0  }
0x9: {  	[smem:$0x3F9C] =	sst s1  }
0xa: {  	[smem:$0x3F9D] =	sst s2  }
0xb: {  	[smem:$0x3F9E] =	sst s3  }
0xc: {  	[smem:$0x3F9F] =	sst s4  }
0xd: {  	[smem:$0x3FA0] =	sst s5  }
0xe: {  	[smem:$0x3FA1] =	sst s6  }
0xf: {  	[smem:$0x3FA2] =	sst s7  }
0x10: {  	[smem:$0x3FA3] =	sst s8  }
0x11: {  	[smem:$0x3FA4] =	sst s9;
	s0 =	simm.s32 @!p0 $0x0  }
0x12: {  	s1 =	sld [smem:$0x3F8A];
	s0 =	simm.s32 @p0 $0x1  }
0x13: {  	[smem:$0x3FA5] =	sst s0;
	s0 =	simm.s32 @!p1 $0x0  }
0x14: {  	s2 =	sld [smem:$0x3F89];
	s0 =	simm.s32 @p1 $0x1  }
0x15: {  	[smem:$0x3FA6] =	sst s0;
	s0 =	simm.s32 @!p2 $0x0  }
0x16: {  	s3 =	sld [smem:$0x3FDB];
	s0 =	simm.s32 @p2 $0x1  }
0x17: {  	s4 =	simm.s32 $0x1BF5;
	[smem:$0x3FA8] =	sst s0  }
0x18: {  	s0 =	sld [smem:$0x3F8B];
	_ =	swait.ge [sflag:s4], $0x0  }
0x19: {  	s7 =	sld [smem:$0x3F8C]  }
0x1a: {  	s8 =	sadd.s32 $0xFFFFE003, lr  }
0x1b: {  	s9 =	sadd.s32 $0xFFFFFEF7, lr;
	s5 =	simm.s32 $0xFFFFFFFF;
	p2 =	slt.u32 s8, $0xFFFFF086  }
0x1c: {  	p1 =	slt.u32 s9, $0xF7A;
	s5 =	simm.s32 @!p2 $0x0  }
0x1d: {  	s5 =	simm.s32 @p1 $0x1;
	p0 =	seq.s32 s7, s2  }
0x1e: {  	s7 =	smul.u32 @!p0 $0xF7A, s2;
	p2 =	seq.s32 @!p0 s5, $0x0  }
0x1f: {  	s9 =	smul.u32 $0xF7A, s1;
	s8 =	simm.s32 @!p0 $0x1BF5;
	p2 =	por !p2, p0  }
0x20: {  	[sflag:s8] =	ssyncset.s32 @!p0 $0xFFFFF086;
	s6 =	sadd.s32 @!p0 s3, s7;
	s7 =	simm.s32 @!p0 $0x108  }
0x21: {  	s3 =	sadd.s32 s3, s9;
	s6 =	sadd.s32 @!p0 $0x88, s6;
	s7 =	simm.s32 @p2 $0x1082  }
0x22: {  	[simem:s7], [sflag:s8] =	dma.local @!p0 [hbm:s6], $0xF7A  }
0x23: {  	s9 =	sor.u32 $0xD0000000, s2;
	s6 =	simm.s32 $0x108;
	_ =	swait.ge @!p0 [sflag:s8], $0x0  }
0x24: {  	s3 =	sadd.s32 $0x88, s3;
	s6 =	simm.s32 @!p1 $0x1082;
	[sflag:s4] =	ssyncset.s32 $0xFFFFF086  }
0x25: {  	[simem:s6], [sflag:s4] =	dma.local [hbm:s3], $0xF7A  }
0x26: {  	[smem:$0x3F8C] =	sst s1;
	(tag) =	ssettag s2;
	_ =	strace s9  }
0x27: {  	s1 =	sld [smem:$0x3F9C]  }
0x28: {  	s2 =	sld [smem:$0x3F9D]  }
0x29: {  	s4 =	sld [smem:$0x3F9F]  }
0x2a: {  	p0 =	seq.s32 s5, $0x0;
	s5 =	sld [smem:$0x3FA0]  }
0x2b: {  	s6 =	sld [smem:$0x3FA1]  }
0x2c: {  	s7 =	sld [smem:$0x3FA2]  }
0x2d: {  	s3 =	simm.s32 $0x108;
	s8 =	sld [smem:$0x3FA3]  }
0x2e: {  	s3 =	simm.s32 @!p0 $0x1082;
	s9 =	sld [smem:$0x3FA4]  }
0x2f: {  	lr =	sadd.s32 s0, s3;
	s0 =	sld [smem:$0x3F9B]  }
0x30: {  	s3 =	sld [smem:$0x3F9E]  }
0x31: {  	[smem:$0x3FA7] =	sst s10  }
0x32: {  	s10 =	sld [smem:$0x3FA5];
	_ =	sdelay $0x3  }
0x33: {  	p0 =	seq.s32 s10, $0x1;
	s10 =	sld [smem:$0x3FA7];
	_ =	sdelay $0x3  }
0x34: {  	[smem:$0x3FA7] =	sst s10  }
0x35: {  	s10 =	sld [smem:$0x3FA6];
	_ =	sdelay $0x3  }
0x36: {  	p1 =	seq.s32 s10, $0x1;
	s10 =	sld [smem:$0x3FA7];
	_ =	sdelay $0x3  }
0x37: {  	[smem:$0x3FA7] =	sst s10  }
0x38: {  	s10 =	sld [smem:$0x3FA8]  }
0x39: {  	_ = 	snop;
	(pc) =	sbr.ind lr, $3  }
0x3a: {  	_ = 	snop  }
0x3b: {  	_ = 	snop  }
0x3c: {  	p2 =	seq.s32 s10, $0x1;
	s10 =	sld [smem:$0x3FA7]  }
0x3d: {  	_ =	shalt  }
0x3e: {  	_ =	shalt  }
0x3f: {  	_ =	shalt  }
0x40: {  	_ =	shalt  }
0x41: {  	_ =	shalt  }
0x42: {  	_ =	shalt  }
0x43: {  	_ =	shalt  }
0x44: {  	_ =	shalt  }
0x45: {  	_ =	shalt  }
0x46: {  	_ =	shalt  }
0x47: {  	_ =	shalt  }
0x48: {  	_ =	shalt  }
0x49: {  	_ =	shalt  }
0x4a: {  	_ =	shalt  }
0x4b: {  	_ =	shalt  }
0x4c: {  	_ =	shalt  }
0x4d: {  	_ =	shalt  }
0x4e: {  	_ =	shalt  }
0x4f: {  	_ =	shalt  }
0x50: {  	_ =	shalt  }
0x51: {  	_ =	shalt  }
0x52: {  	_ =	shalt  }
0x53: {  	_ =	shalt  }
0x54: {  	_ =	shalt  }
0x55: {  	_ =	shalt  }
0x56: {  	_ =	shalt  }
0x57: {  	_ =	shalt  }
0x58: {  	_ =	shalt  }
0x59: {  	_ =	shalt  }
0x5a: {  	_ =	shalt  }
0x5b: {  	_ =	shalt  }
0x5c: {  	_ =	shalt  }
0x5d: {  	_ =	shalt  }
0x5e: {  	_ =	shalt  }
0x5f: {  	_ =	shalt  }
0x60: {  	_ =	shalt  }
0x61: {  	_ =	shalt  }
0x62: {  	_ =	shalt  }
0x63: {  	_ =	shalt  }
0x64: {  	_ =	shalt  }
0x65: {  	_ =	shalt  }
0x66: {  	_ =	shalt  }
0x67: {  	_ =	shalt  }
0x68: {  	_ =	shalt  }
0x69: {  	_ =	shalt  }
0x6a: {  	_ =	shalt  }
0x6b: {  	_ =	shalt  }
0x6c: {  	_ =	shalt  }
0x6d: {  	_ =	shalt  }
0x6e: {  	_ =	shalt  }
0x6f: {  	_ =	shalt  }
0x70: {  	_ =	shalt  }
0x71: {  	_ =	shalt  }
0x72: {  	_ =	shalt  }
0x73: {  	_ =	shalt  }
0x74: {  	_ =	shalt  }
0x75: {  	_ =	shalt  }
0x76: {  	_ =	shalt  }
0x77: {  	_ =	shalt  }
0x78: {  	_ =	shalt  }
0x79: {  	_ =	shalt  }
0x7a: {  	_ =	shalt  }
0x7b: {  	_ =	shalt  }
0x7c: {  	_ =	shalt  }
0x7d: {  	_ =	shalt  }
0x7e: {  	_ =	shalt  }
0x7f: {  	_ =	shalt  }
0x80: {  	_ =	shalt  }
0x81: {  	_ =	shalt  }
0x82: {  	_ =	shalt  }
0x83: {  	_ =	shalt  }
0x84: {  	_ =	shalt  }
0x85: {  	_ =	shalt  }
0x86: {  	_ =	shalt  }
0x87: {  	_ =	shalt  }
.Lfunc_end0:
.L_simem_size_0:
called_computation_lowered:
.L_overlay_start_0:
0x88: {  	s2 =	sld [smem:$0x3FD9]  }
0x89: {  	s3 =	sld [smem:$0x3FFE];
	_ =	sdelay $0x1  }
0x8a: {  	s1 =	srdreg.scid  }
0x8b: {  	s0 =	sand.u32 $0x1, s1  }
0x8c: {  	s14 =	sshll.u32 s0, $0xA;
	s2 =	sadd.s32 s3, s2  }
0x8d: {  	s2 =	sadd.s32 s2, s14  }
0x8e: {  	[smem:$0x3FB3] =	sst s2  }
0x8f: {  	_ = 	snop  }
0x90: {  	s2 =	sld [smem:$0x3FD0];
	_ =	sdelay $0x2  }
0x91: {  	s15 =	simm.s32 $0xA;
	s4 =	simm.s32 $0x10  }
0x92: {  	[smem:s4], [sflag:s15] =	dma.local [hbm:s2], $0x1  }
0x93: {  	_ =	swait.eq [sflag:s15], $0x1  }
0x94: {  	[sflag:s15] =	ssyncset.done $0x0  }
0x95: {  	s16 =	sld [smem:$0x10];
	[sflag:s15] =	ssyncadd.s32 $0xFFFFFFFF  }
0x96: {  	s17 =	sld [smem:$0x11];
	(tm) =	ssettm $0x1  }
0x97: {  	s18 =	sld [smem:$0x3FFB];
	_ =	sdelay $0x3  }
0x98: {  	_ =	strace s18  }
0x99: {  	s4 =	sld [smem:$0x3FFC];
	_ =	sdelay $0x3  }
0x9a: {  	_ =	strace s4  }
0x9b: {  	s4 =	sld [smem:$0x3FFD];
	_ =	sdelay $0x3  }
0x9c: {  	_ =	strace s4  }
0x9d: {  	_ =	strace $0x8FFFFFFF  }
0x9e: {  	s19 =	sld [smem:$0x3FDB];
	_ =	sdelay $0x1  }
0x9f: {  	s5 =	simm.s32 $_scs_section_size  }
0xa0: {  	s6 =	simm.s32 $_size__tile_overlayer_lowered;
	s7 =	simm.s32 $_tile_overlayer_lowered  }
0xa1: {  	s22 =	simm.s32 $0x1BFF;
	s21 =	sshll.u32 s7, $0x1;
	s4 =	sadd.s32 s5, s19  }
0xa2: {  	s8 =	simm.s32 $0x0;
	s20 =	sshll.u32 s6, $0x1;
	s6 =	sadd.s32 s21, s4  }
0xa3: {  	[timem:s8], [sflag:s22] =	dma.local [hbm:s6], s20  }
0xa4: {  	_ =	swait.ge [sflag:s22], s20  }
0xa5: {  	s5 =	ssub.s32 $0x0, s20;
	[sflag:s22] =	ssyncset.done $0x0  }
0xa6: {  	[sflag:s22] =	ssyncadd.s32 s5;
	_ =	sdelay $0x1  }
0xa7: {  	s23 =	simm.s32 $0x1B8B  }
0xa8: {  	_ =	swait.ge [sflag:s23], $0x1  }
0xa9: {  	[sflag:s23] =	ssyncset.done $0x0  }
0xaa: {  	s25 =	simm.s32 $0x1B8E;
	s24 =	sld [smem:$0x3FFE];
	[sflag:s23] =	ssyncadd.s32 $0xFFFFFFFF  }
0xab: {  	s26 =	simm.s32 $execute0_lowered;
	[smem:$0x3FD2] =	sst s25  }
0xac: {  	s6 =	sshll.u32 s26, $0x1;
	_ =	strace $0x80000046;
	[dreg:$0x1] =	wrdreg $0xFFFFFFFF  }
0xad: {  	s28 =	simm.s32 $_size_execute0_lowered;
	s4 =	sadd.s32 s4, s6;
	[dreg:$0x0] =	wrdreg $0x0  }
0xae: {  	s6 =	sshll.u32 s28, $0x1;
	[dreg:$0x2] =	wrdreg s4  }
0xaf: {  	[dreg:$0x3] =	wrdreg s6  }
0xb0: {  	[dreg:$0x4] =	wrdreg $0xC0  }
0xb1: {  	_ =	task [dreg:s8], $0x5FFFF  }
0xb2: {  	[dreg:$0x1] =	wrdreg $0xFFFFFFFF  }
0xb3: {  	[dreg:$0x0] =	wrdreg $0x60  }
0xb4: {  	[dreg:$0x2] =	wrdreg s24  }
0xb5: {  	[dreg:$0x3] =	wrdreg s16  }
0xb6: {  	[dreg:$0x4] =	wrdreg s17  }
0xb7: {  	[dreg:$0x5] =	wrdreg $0x9  }
0xb8: {  	_ =	task.clear_ibuf [dreg:s8], $0x6FFFF;
	_ =	strace $0x90000046  }
0xb9: {  	s29 =	simm.s32 $0x9;
	_ =	strace $0x80000048  }
0xba: {  	_ =	swait.ge [sflag:s29], $0x1  }
0xbb: {  	[sflag:s29] =	ssyncadd.s32 $0xFFFFFFFF  }
0xbc: {  	_ =	strace $0x90000048  }
0xbd: {  	_ =	sfence  }
0xbe: {  	s30 =	sld [smem:$0x0];
	_ =	sdelay $0x2  }
0xbf: {  	s31 =	sshll.u32 s1, $0xD;
	s1 =	sshrl.u32 s1, $0x2  }
0xc0: {  	s3 =	sand.u32 $0x4000, s31;
	s1 =	sadd.s32 s1, s30  }
0xc1: {  	s0 =	sor.u32 s3, s0;
	s1 =	sshll.u32 s1, $0x11  }
0xc2: {  	s0 =	sor.u32 s1, s0  }
0xc3: {  	s0 =	sadd.s32 $0x8F2B, s0  }
0xc4: {  	[sflag:s0] =	ssyncadd.remote.s32 $0x1  }
0xc5: {  	_ =	sfence.sel $0xFFFF  }
0xc6: {  	[dreg:$0x0] =	wrdreg $0xFFFFFFFF;
	(pc) =	sbr.abs _section_cstart, $3  }
0xc7: {  	[dreg:$0x1] =	wrdreg $0xFFFFFFFF  }
0xc8: {  	_ =	task.clear_ibuf [dreg:s8], $0x2FFFF;
	_ =	strace $0x9FFFFFFF  }
0xc9: {  	(tm) =	ssettm $0x7FFFFFFF  }
tec
execute0_lowered:
.L_overlay_start_1:
0x0: {  	(tag) =	ssettag $0x1  }
0x1: {  	s4 =	rddreg [dreg:$0x0]  }
0x2: {  	s5 =	rddreg [dreg:$0x1]  }
0x3: {  	s6 =	rddreg [dreg:$0x2]  }
0x4: {  	s1 =	simm.s32 $0x0;
	s7 =	srdreg.scid;
	s2 =	stileid.u32  }
0x5: {  	s16 =	simm.s32 $0x10000;
	s17 =	simm.s32 $0x15000;
	s18 =	simm.s32 $0x80  }
0x6: {  	s19 =	simm.s32 $0x12800;
	s20 =	simm.s32 $0x8080;
	s21 =	simm.s32 $0x17800  }
0x7: {  	s22 =	simm.s32 $0x1;
	s23 =	simm.s32 $0x3;
	s24 =	simm.s32 $0x2  }
0x8: {  	[smem:$0x7FF] =	sst s1;
	s3 =	sadd.s32 $0x4200, s4;
	s10 =	sadd.s32 $0xA0600, s4  }
0x9: {  	s8 =	sand.u32 $0x1, s7;
	s25 =	sshll.u32 s2, $0x1;
	s12 =	sadd.s32 $0xA64600, s4  }
0xa: {  	s14 =	smul.u32 $0x9C400, s2;
	_ =	strace $0x80000047;
	s26 =	ssub.s32 $0x2, s8  }
0xb: {  	s7 =	sor.u32 s8, s25;
	s31 =	smul.u32 $0x4E200, s8;
	s25 =	simm.s32 $0x4  }
0xc: {  	s9 =	sshrl.u32 s26, $0x1;
	s11 =	sshll.u32 s7, $0xC;
	s13 =	smul.u32 $0x4E200, s7  }
0xd: {  	s15 =	sadd.s32 s14, s10;
	s28 =	ssub.s32 s26, s9;
	s4 =	sadd.s32 s5, s11  }
0xe: {  	s5 =	sadd.s32 s6, s11;
	s11 =	sadd.s32 s31, s15;
	s15 =	simm.s32 $0x50  }
0xf: {  	s26 =	simm.s32 $0x0;
	s6 =	smax.u32 s28, $0x1;
	s29 =	sadd.s32 $0x4D800, s13  }
0x10: {  	s30 =	sadd.s32 $0x4DD00, s13;
	s7 =	sadd.s32 s10, s29;
	s8 =	sadd.s32 s12, s29  }
0x11: {  	s9 =	sadd.s32 s10, s30;
	s10 =	sadd.s32 s12, s30;
	s12 =	sadd.s32 s14, s12  }
0x12: {  	s13 =	simm.s32 $0x5;
	s14 =	simm.s32 $0x8000;
	s12 =	sadd.s32 s31, s12  }
.LBB2_1:
0x13: {  	[tilespmem:s1], [sflag:$0x5] =	stream.linear.gather [hbm4b:s4+s1], $0x7D00, $0x38;
	[tilespmem:$0x1A000] =	vst v63  }
0x14: {  	_ =	swait.ge [sflag:s13], $0x7D00  }
0x15: {  	[sflag:s13] =	ssyncset.done $0x0  }
0x16: {  	[sflag:s13] =	ssyncadd.s32 $0xFFFF8300  }
0x17: {  	[tilespmem:s14], [sflag:$0x5] =	stream.linear.gather [hbm4b:s5+s1], $0x7D00, $0x38;
	[tilespmem:$0x1A000] =	vst v63  }
0x18: {  	_ =	swait.ge [sflag:s13], $0x7D00  }
0x19: {  	[sflag:s13] =	ssyncset.done $0x0  }
0x1a: {  	[sflag:s13] =	ssyncadd.s32 $0xFFFF8300  }
0x1b: {  	[tilespmem:s16], [sflag:$0x1] =	stream.indirect.gather [hbm4b:s3+s15], $0x80, s1, s15, $0xb8;
	[tilespmem:$0x1A000] =	vst v63  }
0x1c: {  	_ = 	snop  }
0x1d: {  	[tilespmem:s17], [sflag:$0x3] =	stream.indirect.gather [hbm4b:s3+s15], $0x80, s14, s15, $0xb8;
	[tilespmem:$0x1A000] =	vst v63  }
0x1e: {  	_ = 	snop  }
0x1f: {  	[tilespmem:s19], [sflag:$0x2] =	stream.indirect.gather [hbm4b:s3+s15], $0x80, s18, s15, $0xb8;
	[tilespmem:$0x1A000] =	vst v63  }
0x20: {  	_ = 	snop  }
0x21: {  	[tilespmem:s21], [sflag:$0x4] =	stream.indirect.gather [hbm4b:s3+s15], $0x80, s20, s15, $0xb8;
	[tilespmem:$0x1A000] =	vst v63  }
0x22: {  	_ =	swait.ge [sflag:s22], $0x2800  }
0x23: {  	[sflag:s22] =	ssyncset.done $0x0  }
0x24: {  	s28 =	sadd.s32 $0x0, s11;
	[sflag:s22] =	ssyncadd.s32 $0xFFFFD800  }
0x25: {  	[hbm4b:s28+s1] =	stream.linear.scatter [tilespmem:s16], [sflag:$0x5], $0x2800, $0x38;
	[tilespmem:$0x1A000] =	vst v63  }
0x26: {  	_ =	swait.ge [sflag:s13], $0x2800  }
0x27: {  	[sflag:s13] =	ssyncset.done $0x0  }
0x28: {  	[sflag:s13] =	ssyncadd.s32 $0xFFFFD800  }
0x29: {  	_ =	swait.ge [sflag:s23], $0x2800  }
0x2a: {  	[sflag:s23] =	ssyncset.done $0x0  }
0x2b: {  	s29 =	sadd.s32 $0x0, s12;
	[sflag:s23] =	ssyncadd.s32 $0xFFFFD800  }
0x2c: {  	[hbm4b:s29+s1] =	stream.linear.scatter [tilespmem:s17], [sflag:$0x5], $0x2800, $0x38;
	[tilespmem:$0x1A000] =	vst v63  }
0x2d: {  	_ =	swait.ge [sflag:s13], $0x2800  }
0x2e: {  	[sflag:s13] =	ssyncset.done $0x0  }
0x2f: {  	s30 =	simm.s32 $0x100;
	[sflag:s13] =	ssyncadd.s32 $0xFFFFD800  }
0x30: {  	[tilespmem:s16], [sflag:$0x1] =	stream.indirect.gather [hbm4b:s3+s15], $0x80, s30, s15, $0xb8;
	[tilespmem:$0x1A000] =	vst v63  }
0x31: {  	s30 =	simm.s32 $0x8100  }
0x32: {  	[tilespmem:s17], [sflag:$0x3] =	stream.indirect.gather [hbm4b:s3+s15], $0x80, s30, s15, $0xb8;
	[tilespmem:$0x1A000] =	vst v63  }
0x33: {  	_ =	swait.ge [sflag:s24], $0x2800  }
0x34: {  	[sflag:s24] =	ssyncset.done $0x0  }
0x35: {  	s28 =	sadd.s32 $0x500, s28;
	[sflag:s24] =	ssyncadd.s32 $0xFFFFD800  }
0x36: {  	[hbm4b:s28+s1] =	stream.linear.scatter [tilespmem:s19], [sflag:$0x5], $0x2800, $0x38;
	[tilespmem:$0x1A000] =	vst v63  }
0x37: {  	_ =	swait.ge [sflag:s13], $0x2800  }
0x38: {  	[sflag:s13] =	ssyncset.done $0x0  }
0x39: {  	[sflag:s13] =	ssyncadd.s32 $0xFFFFD800  }
0x3a: {  	_ =	swait.ge [sflag:s25], $0x2800  }
0x3b: {  	[sflag:s25] =	ssyncset.done $0x0  }
0x3c: {  	s28 =	sadd.s32 $0x500, s29;
	[sflag:s25] =	ssyncadd.s32 $0xFFFFD800  }
0x3d: {  	[hbm4b:s28+s1] =	stream.linear.scatter [tilespmem:s21], [sflag:$0x5], $0x2800, $0x38;
	[tilespmem:$0x1A000] =	vst v63  }
0x3e: {  	_ =	swait.ge [sflag:s13], $0x2800  }
0x3f: {  	[sflag:s13] =	ssyncset.done $0x0  }
0x40: {  	s31 =	simm.s32 $0x8180;
	s28 =	simm.s32 $0x180;
	[sflag:s13] =	ssyncadd.s32 $0xFFFFD800  }
0x41: {  	[tilespmem:s19], [sflag:$0x2] =	stream.indirect.gather [hbm4b:s3+s15], $0x80, s28, s15, $0xb8;
	[tilespmem:$0x1A000] =	vst v63  }
0x42: {  	s30 =	simm.s32 $0x200;
	s29 =	simm.s32 $0x8200;
	s28 =	simm.s32 $0xA00  }
.LBB2_2:
0x43: {  	[tilespmem:s21], [sflag:$0x4] =	stream.indirect.gather [hbm4b:s3+s15], $0x80, s31, s15, $0xb8;
	[tilespmem:$0x1A000] =	vst v63  }
0x44: {  	s31 =	smov.u32 s28  }
0x45: {  	p0 =	sne.s32 s28, $0x4CE00;
	s28 =	sadd.s32 $0xA00, s28;
	_ =	swait.ge [sflag:s22], $0x2800  }
0x46: {  	[sflag:s22] =	ssyncset.done $0x0  }
0x47: {  	s0 =	sadd.s32 s31, s11;
	[sflag:s22] =	ssyncadd.s32 $0xFFFFD800  }
0x48: {  	[hbm4b:s0+s1] =	stream.linear.scatter [tilespmem:s16], [sflag:$0x5], $0x2800, $0x38;
	[tilespmem:$0x1A000] =	vst v63  }
0x49: {  	_ =	swait.ge [sflag:s13], $0x2800  }
0x4a: {  	[sflag:s13] =	ssyncset.done $0x0  }
0x4b: {  	[sflag:s13] =	ssyncadd.s32 $0xFFFFD800  }
0x4c: {  	_ =	swait.ge [sflag:s23], $0x2800  }
0x4d: {  	[sflag:s23] =	ssyncset.done $0x0  }
0x4e: {  	s31 =	sadd.s32 s31, s12;
	[sflag:s23] =	ssyncadd.s32 $0xFFFFD800  }
0x4f: {  	[hbm4b:s31+s1] =	stream.linear.scatter [tilespmem:s17], [sflag:$0x5], $0x2800, $0x38;
	[tilespmem:$0x1A000] =	vst v63  }
0x50: {  	_ =	swait.ge [sflag:s13], $0x2800  }
0x51: {  	[sflag:s13] =	ssyncset.done $0x0  }
0x52: {  	[sflag:s13] =	ssyncadd.s32 $0xFFFFD800  }
0x53: {  	[tilespmem:s16], [sflag:$0x1] =	stream.indirect.gather [hbm4b:s3+s15], $0x80, s30, s15, $0xb8;
	[tilespmem:$0x1A000] =	vst v63  }
0x54: {  	_ = 	snop  }
0x55: {  	[tilespmem:s17], [sflag:$0x3] =	stream.indirect.gather [hbm4b:s3+s15], $0x80, s29, s15, $0xb8;
	[tilespmem:$0x1A000] =	vst v63  }
0x56: {  	_ =	swait.ge [sflag:s24], $0x2800  }
0x57: {  	[sflag:s24] =	ssyncset.done $0x0  }
0x58: {  	s0 =	sadd.s32 $0x500, s0;
	[sflag:s24] =	ssyncadd.s32 $0xFFFFD800  }
0x59: {  	[hbm4b:s0+s1] =	stream.linear.scatter [tilespmem:s19], [sflag:$0x5], $0x2800, $0x38;
	[tilespmem:$0x1A000] =	vst v63  }
0x5a: {  	_ =	swait.ge [sflag:s13], $0x2800  }
0x5b: {  	[sflag:s13] =	ssyncset.done $0x0  }
0x5c: {  	[sflag:s13] =	ssyncadd.s32 $0xFFFFD800  }
0x5d: {  	_ =	swait.ge [sflag:s25], $0x2800  }
0x5e: {  	[sflag:s25] =	ssyncset.done $0x0  }
0x5f: {  	s0 =	sadd.s32 $0x500, s31;
	[sflag:s25] =	ssyncadd.s32 $0xFFFFD800  }
0x60: {  	[hbm4b:s0+s1] =	stream.linear.scatter [tilespmem:s21], [sflag:$0x5], $0x2800, $0x38;
	[tilespmem:$0x1A000] =	vst v63  }
.Ltmp0:
0x61: {  	_ =	swait.ge [sflag:s13], $0x2800;
	(pc) =	sbr.rel @p0 .LBB2_2-.Ltmp0, $4  }
0x62: {  	[sflag:s13] =	ssyncset.done $0x0  }
0x63: {  	s0 =	sadd.s32 $0x80, s30;
	[sflag:s13] =	ssyncadd.s32 $0xFFFFD800  }
0x64: {  	[tilespmem:s19], [sflag:$0x2] =	stream.indirect.gather [hbm4b:s3+s15], $0x80, s0, s15, $0xb8;
	[tilespmem:$0x1A000] =	vst v63  }
0x65: {  	s31 =	sadd.s32 $0x80, s29;
	s29 =	sadd.s32 $0x100, s29;
	s30 =	sadd.s32 $0x100, s30  }
0x66: {  	[tilespmem:s21], [sflag:$0x4] =	stream.indirect.gather [hbm4b:s3+s15], $0x80, s31, s15, $0xb8;
	[tilespmem:$0x1A000] =	vst v63  }
0x67: {  	_ =	swait.ge [sflag:s22], $0x2800  }
0x68: {  	[sflag:s22] =	ssyncset.done $0x0  }
0x69: {  	[sflag:s22] =	ssyncadd.s32 $0xFFFFD800  }
0x6a: {  	[hbm4b:s7+s1] =	stream.linear.scatter [tilespmem:s16], [sflag:$0x5], $0x2800, $0x38;
	[tilespmem:$0x1A000] =	vst v63  }
0x6b: {  	_ =	swait.ge [sflag:s13], $0x2800  }
0x6c: {  	[sflag:s13] =	ssyncset.done $0x0  }
0x6d: {  	[sflag:s13] =	ssyncadd.s32 $0xFFFFD800  }
0x6e: {  	_ =	swait.ge [sflag:s23], $0x2800  }
0x6f: {  	[sflag:s23] =	ssyncset.done $0x0  }
0x70: {  	[sflag:s23] =	ssyncadd.s32 $0xFFFFD800  }
0x71: {  	[hbm4b:s8+s1] =	stream.linear.scatter [tilespmem:s17], [sflag:$0x5], $0x2800, $0x38;
	[tilespmem:$0x1A000] =	vst v63  }
0x72: {  	_ =	swait.ge [sflag:s13], $0x2800  }
0x73: {  	[sflag:s13] =	ssyncset.done $0x0  }
0x74: {  	[sflag:s13] =	ssyncadd.s32 $0xFFFFD800  }
0x75: {  	_ =	swait.ge [sflag:s24], $0x2800  }
0x76: {  	[sflag:s24] =	ssyncset.done $0x0  }
0x77: {  	[sflag:s24] =	ssyncadd.s32 $0xFFFFD800  }
0x78: {  	[hbm4b:s9+s1] =	stream.linear.scatter [tilespmem:s19], [sflag:$0x5], $0x2800, $0x38;
	[tilespmem:$0x1A000] =	vst v63  }
0x79: {  	_ =	swait.ge [sflag:s13], $0x2800  }
0x7a: {  	[sflag:s13] =	ssyncset.done $0x0  }
0x7b: {  	[sflag:s13] =	ssyncadd.s32 $0xFFFFD800  }
0x7c: {  	s26 =	sadd.s32 $0x1, s26;
	_ =	swait.ge [sflag:s25], $0x2800  }
0x7d: {  	p0 =	sne.s32 s26, s6;
	[sflag:s25] =	ssyncset.done $0x0  }
.Ltmp1:
0x7e: {  	[sflag:s25] =	ssyncadd.s32 $0xFFFFD800;
	(pc) =	sbr.rel @p0 .LBB2_1-.Ltmp1, $4  }
0x7f: {  	[hbm4b:s10+s1] =	stream.linear.scatter [tilespmem:s21], [sflag:$0x5], $0x2800, $0x38;
	[tilespmem:$0x1A000] =	vst v63  }
0x80: {  	_ =	swait.ge [sflag:s13], $0x2800  }
0x81: {  	[sflag:s13] =	ssyncset.done $0x0  }
0x82: {  	[sflag:s13] =	ssyncadd.s32 $0xFFFFD800  }
0x83: {  	_ =	sfence.sel $0x180000  }
0x84: {  	[bflag:$0x0] =	sbarrier.arrive $0xFFFF  }
0x85: {  	_ =	strace $0x90000047  }
0x86: {  	[bflag:$0x2] =	sbarrier.arrive $0xFFFF  }
0x87: {  	p0 =	sne.s32 s2, $0x0;
	s0 =	rddreg [dreg:$0x3]  }
0x88: {  	s0 =	sadd.s32 @!p0 $0x100000, s0  }
0x89: {  	[sflag:s0] =	ssyncadd.tile.s32 @!p0 $0x1;
	_ =	shalt  }
.Lfunc_end2:
_tile_overlayer_lowered:
.L_overlay_start_2:
0x8a: {  	(tag) =	ssettag $0x2  }
0x8b: {  	s0 =	rddreg [dreg:$0x0];
	s2 =	stileid.u32  }
0x8c: {  	s1 =	rddreg [dreg:$0x1];
	p0 =	sne.s32 s2, $0x0  }
0x8d: {  	s3 =	rddreg [dreg:$0x2];
	[bflag:$0x3] =	sbarrier.arrive $0xFFFF;
	s2 =	simm.s32 @!p0 $0x1C05  }
0x8e: {  	[timem:s3], [sflag:s2] =	dma.local @!p0 [hbm:s0], s1  }
0x8f: {  	s0 =	simm.s32 @!p0 $0x5  }
0x90: {  	_ =	swait.ge @!p0 [sflag:s0], s1  }
0x91: {  	s1 =	ssub.s32 @!p0 $0x0, s1;
	[sflag:s0] =	ssyncset.done @!p0 $0x0  }
0x92: {  	[sflag:s0] =	ssyncadd.s32 @!p0 s1  }
0x93: {  	[bflag:$0x3] =	sbarrier.arrive $0xFFFF  }
0x94: {  	_ =	shalt  }

</sc_bundles>
